<compile_context>
chip_gen: v7x
topology: tpu7x:2x2x1
jax: 0.10.2.dev20260603
libtpu: 0.0.44.dev20260713+nightly
codegen_flags: <defaults>
</compile_context>

<pallas_src>
import functools

import jax
import jax.numpy as jnp
from jax import lax
from jax.experimental import pallas as pl
from jax.experimental.pallas import tpu as pltpu
from jax.experimental.pallas import tpu_sc as plsc

_NC = 2
_NS = 16
_NW = _NC * _NS
_LANES = 16

_VOCAB = 1000
_NPOS = 24
_EMBED = 128
_N = 1024 * 200
_NPW = _N // _NW
_CHUNK = 128
_SUP = 256
_NSUP = _NPW // _SUP
_RING = 3


def _build_comb_kernel(w_ref, p_ref, t_ref, q_ref, o_ref, i_ref):
    o_ref[...] = w_ref[...][:, None, :] + p_ref[...][None, :, :]
    i_ref[...] = t_ref[...] * _NPOS + q_ref[...]


def _build_comb(W_word, W_pos, tok2, pos2):
    bt = _VOCAB // 5
    bi = _NPW // 5
    comb, idx = pl.pallas_call(
        _build_comb_kernel,
        grid=(5,),
        in_specs=[
            pl.BlockSpec((bt, _EMBED), lambda i: (i, 0)),
            pl.BlockSpec((_NPOS, _EMBED), lambda i: (0, 0)),
            pl.BlockSpec((_NW, bi), lambda i: (0, i)),
            pl.BlockSpec((_NW, bi), lambda i: (0, i)),
        ],
        out_specs=[
            pl.BlockSpec((bt, _NPOS, _EMBED), lambda i: (i, 0, 0)),
            pl.BlockSpec((_NW, bi), lambda i: (0, i)),
        ],
        out_shape=[
            jax.ShapeDtypeStruct((_VOCAB, _NPOS, _EMBED), jnp.float32),
            jax.ShapeDtypeStruct((_NW, _NPW), jnp.int32),
        ],
    )(W_word[:_VOCAB], W_pos, tok2, pos2)
    return comb.reshape(_VOCAB * _NPOS, _EMBED), idx


def _sc_body(idx_hbm, comb_hbm, out_hbm, idx_v, buf_v, gsems, osems):
    cid = lax.axis_index("c")
    sid = lax.axis_index("s")
    wid = sid * _NC + cid
    base = wid * _NPW

    pltpu.sync_copy(idx_hbm.at[wid], idx_v)

    def gather(s, half, b):
        c = s * 2 + half
        return pltpu.make_async_copy(
            comb_hbm.at[idx_v.at[pl.ds(c * _CHUNK, _CHUNK)]],
            buf_v.at[b, pl.ds(half * _CHUNK, _CHUNK)], gsems[b])

    def out_copy(s, b):
        return pltpu.make_async_copy(
            buf_v.at[b], out_hbm.at[pl.ds(base + s * _SUP, _SUP)],
            osems[b])

    for s in range(_RING - 1):
        gather(s, 0, s).start()
        gather(s, 1, s).start()

    def group_body(g, carry):
        for b in range(_RING):
            s = g * _RING + b
            gather(s, 0, b).wait()
            gather(s, 1, b).wait()
            out_copy(s, b).start()

            bn = (b + 2) % _RING

            @pl.when(s <= _NSUP - _RING)
            def _():
                @pl.when(s >= 1)
                def _():
                    out_copy(s - 1, bn).wait()

                gather(s + 2, 0, bn).start()
                gather(s + 2, 1, bn).start()
        return carry

    lax.fori_loop(0, (_NSUP - 1) // _RING, group_body, 0)

    s_last = _NSUP - 1
    gather(s_last, 0, s_last % _RING).wait()
    gather(s_last, 1, s_last % _RING).wait()
    out_copy(s_last, s_last % _RING).start()
    for s in range(_NSUP - _RING, _NSUP):
        out_copy(s, s % _RING).wait()


@functools.partial(
    pl.kernel,
    mesh=plsc.VectorSubcoreMesh(core_axis_name="c", subcore_axis_name="s"),
    out_type=jax.ShapeDtypeStruct((_N, _EMBED), jnp.float32),
    scratch_types=[
        pltpu.VMEM((_NPW,), jnp.int32),
        pltpu.VMEM((_RING, _SUP, _EMBED), jnp.float32),
    ] + [pltpu.SemaphoreType.DMA] * (2 * _RING),
)
def _sc_lookup(idx_hbm, comb_hbm, out_hbm, idx_v, buf_v, *sems):
    _sc_body(idx_hbm, comb_hbm, out_hbm,
             idx_v, buf_v, sems[:_RING], sems[_RING:])


def kernel(tokens, pos, W_word, W_pos):
    tok2 = tokens.astype(jnp.int32).reshape(_NW, _NPW)
    pos2 = pos.astype(jnp.int32).reshape(_NW, _NPW)
    comb, idx = _build_comb(W_word, W_pos, tok2, pos2)
    out = _sc_lookup(idx, comb)
    return out.reshape(tokens.shape[0], tokens.shape[1], _EMBED)

# --- scband reference (transcript-rebuilt; emitter-appended) ---
"""Pipeline reference for scband-base-model-18227841204768 (READ-ONLY COPY).

The authoritative reference and input builder live on the scoring server;
editing this copy changes nothing except your own understanding.
"""

import jax, jax.numpy as jnp
import numpy as np

VOCAB = 1000
EMBED = 128
POS_SIZE = 24
BATCH = 1024
HIST = 200

def setup_inputs(seed: int = 0) -> dict:
    key = jax.random.key(seed)
    k1, k2, k3, k4 = jax.random.split(key, 4)
    tokens = jax.random.randint(k1, (BATCH, HIST), 0, VOCAB)
    pos = jax.random.randint(k2, (BATCH, HIST), 0, POS_SIZE)
    # nn.Embedding(vocab_size + 2, embed_size, padding_idx=0): row 0 zeroed
    W_word = jax.random.normal(k3, (VOCAB + 2, EMBED), dtype=jnp.float32) * 0.02
    W_word = W_word.at[0].set(0.0)
    W_pos = jax.random.normal(k4, (POS_SIZE, EMBED), dtype=jnp.float32) * 0.02
    W_pos = W_pos.at[0].set(0.0)
    return {"tokens": tokens, "pos": pos, "W_word": W_word, "W_pos": W_pos}

def reference(tokens, pos, W_word, W_pos):
    # embed_word(tokens) + embed_pos(pos); embed_drop is identity at eval time
    we = jnp.take(W_word, tokens, axis=0)
    pe = jnp.take(W_pos, pos, axis=0)
    return we + pe

if __name__ == "__main__":
    import jax
    _d = setup_inputs()
    print(jax.jit(kernel)(*tuple(_d.values())))

</pallas_src>

<mosaic_0001>
#map = affine_map<(d0, d1) -> (0, 0)>
module attributes {stable_mosaic.version = 14 : i64} {
  func.func @_sc_lookup(%arg0: i32, %arg1: i32, %arg2: memref<32x6400xi32, #tpu.memory_space<hbm>>, %arg3: memref<24000x128xf32, #tpu.memory_space<hbm>>, %arg4: memref<204800x128xf32, #tpu.memory_space<hbm>>, %arg5: memref<6400xi32, #tpu.memory_space<vmem>>, %arg6: memref<3x256x128xf32, #tpu.memory_space<vmem>>, %arg7: memref<!tpu.dma_semaphore, #tpu.memory_space<semaphore_mem>>, %arg8: memref<!tpu.dma_semaphore, #tpu.memory_space<semaphore_mem>>, %arg9: memref<!tpu.dma_semaphore, #tpu.memory_space<semaphore_mem>>, %arg10: memref<!tpu.dma_semaphore, #tpu.memory_space<semaphore_mem>>, %arg11: memref<!tpu.dma_semaphore, #tpu.memory_space<semaphore_mem>>, %arg12: memref<!tpu.dma_semaphore, #tpu.memory_space<semaphore_mem>>) attributes {dimension_semantics = [#tpu.dimension_semantics<core_parallel>, #tpu.dimension_semantics<subcore_parallel>], iteration_bounds = array<i64: 2, 16>, scalar_prefetch = 0 : i64, scratch_operands = 8 : i64, tpu.core_type = #tpu.core_type<sc_vector_subcore>, window_params = [{transform_indices = #map}, {transform_indices = #map}, {transform_indices = #map}]} {
    %mul3A = arith.constant 2 : i32
    %mul3A_0 = arith.muli %arg1, %mul3A : i32
    %add3A = arith.addi %mul3A_0, %arg0 : i32
    %mul3A_1 = arith.constant 6400 : i32
    %mul3A_2 = arith.muli %add3A, %mul3A_1 : i32
    "tpu.region"() ({
      %run_scoped3A = tpu.sem_alloc : memref<!tpu.dma_semaphore, #tpu.memory_space<semaphore_mem>>
      %dma_start3A_126 = arith.constant 0 : i32
      %dma_start3A_127 = tpu.memref_slice %arg2[%add3A, %dma_start3A_126] : memref<32x6400xi32, #tpu.memory_space<hbm>> -> memref<1x6400xi32, #tpu.memory_space<hbm>>
      %dma_start3A_128 = tpu.memref_squeeze %dma_start3A_127 : memref<1x6400xi32, #tpu.memory_space<hbm>> -> memref<6400xi32, #tpu.memory_space<hbm>>
      %dma_start3A_129 = arith.constant 0 : i32
      %dma_start3A_130 = tpu.memref_slice %arg2[%add3A, %dma_start3A_129] : memref<32x6400xi32, #tpu.memory_space<hbm>> -> memref<1x6400xi32, #tpu.memory_space<hbm>>
      %dma_start3A_131 = tpu.memref_squeeze %dma_start3A_130 : memref<1x6400xi32, #tpu.memory_space<hbm>> -> memref<6400xi32, #tpu.memory_space<hbm>>
      tpu.enqueue_dma source(%dma_start3A_131 : memref<6400xi32, #tpu.memory_space<hbm>>) target(%arg5 : memref<6400xi32, #tpu.memory_space<vmem>>) target_semaphore(%run_scoped3A : memref<!tpu.dma_semaphore, #tpu.memory_space<semaphore_mem>>)
      %dma_wait3A_132 = arith.constant 0 : i32
      %dma_wait3A_133 = tpu.memref_slice %arg2[%add3A, %dma_wait3A_132] : memref<32x6400xi32, #tpu.memory_space<hbm>> -> memref<1x6400xi32, #tpu.memory_space<hbm>>
      %dma_wait3A_134 = tpu.memref_squeeze %dma_wait3A_133 : memref<1x6400xi32, #tpu.memory_space<hbm>> -> memref<6400xi32, #tpu.memory_space<hbm>>
      %dma_wait3A_135 = arith.constant 0 : i32
      %dma_wait3A_136 = tpu.memref_slice %arg2[%add3A, %dma_wait3A_135] : memref<32x6400xi32, #tpu.memory_space<hbm>> -> memref<1x6400xi32, #tpu.memory_space<hbm>>
      %dma_wait3A_137 = tpu.memref_squeeze %dma_wait3A_136 : memref<1x6400xi32, #tpu.memory_space<hbm>> -> memref<6400xi32, #tpu.memory_space<hbm>>
      tpu.wait_dma2 semaphore(%run_scoped3A : memref<!tpu.dma_semaphore, #tpu.memory_space<semaphore_mem>>) src(%dma_wait3A_137 : memref<6400xi32, #tpu.memory_space<hbm>>) dst(%arg5 : memref<6400xi32, #tpu.memory_space<vmem>>)
      tpu.yield
    }) : () -> ()
    %dma_start3A = arith.constant 0 : i32
    %dma_start3A_3 = arith.constant 0 : i32
    %dma_start3A_4 = arith.constant 0 : i32
    %dma_start3A_5 = tpu.memref_slice %arg6[%dma_start3A, %dma_start3A_3, %dma_start3A_4] : memref<3x256x128xf32, #tpu.memory_space<vmem>> -> memref<1x128x128xf32, #tpu.memory_space<vmem>>
    %dma_start3A_6 = tpu.memref_squeeze %dma_start3A_5 : memref<1x128x128xf32, #tpu.memory_space<vmem>> -> memref<128x128xf32, #tpu.memory_space<vmem>>
    %dma_start3A_7 = arith.constant 0 : i32
    %dma_start3A_8 = tpu.memref_slice %arg5[%dma_start3A_7] : memref<6400xi32, #tpu.memory_space<vmem>> -> memref<128xi32, #tpu.memory_space<vmem>>
    %dma_start3A_9 = arith.constant 0 : i32
    %dma_start3A_10 = arith.constant 0 : i32
    %dma_start3A_11 = tpu.memref_slice %arg3[%dma_start3A_9, %dma_start3A_10] : memref<24000x128xf32, #tpu.memory_space<hbm>> -> memref<24000x128xf32, #tpu.memory_space<hbm>>
    tpu.enqueue_indirect_dma source(%dma_start3A_11 : memref<24000x128xf32, #tpu.memory_space<hbm>>) target(%dma_start3A_6 : memref<128x128xf32, #tpu.memory_space<vmem>>) offsets(%dma_start3A_8 : memref<128xi32, #tpu.memory_space<vmem>>) semaphore(%arg7 : memref<!tpu.dma_semaphore, #tpu.memory_space<semaphore_mem>>)
    %dma_start3A_12 = arith.constant 0 : i32
    %dma_start3A_13 = arith.constant 128 : i32
    %dma_start3A_14 = arith.constant 0 : i32
    %dma_start3A_15 = tpu.memref_slice %arg6[%dma_start3A_12, %dma_start3A_13, %dma_start3A_14] : memref<3x256x128xf32, #tpu.memory_space<vmem>> -> memref<1x128x128xf32, #tpu.memory_space<vmem>>
    %dma_start3A_16 = tpu.memref_squeeze %dma_start3A_15 : memref<1x128x128xf32, #tpu.memory_space<vmem>> -> memref<128x128xf32, #tpu.memory_space<vmem>>
    %dma_start3A_17 = arith.constant 128 : i32
    %dma_start3A_18 = tpu.memref_slice %arg5[%dma_start3A_17] : memref<6400xi32, #tpu.memory_space<vmem>> -> memref<128xi32, #tpu.memory_space<vmem>>
    %dma_start3A_19 = arith.constant 0 : i32
    %dma_start3A_20 = arith.constant 0 : i32
    %dma_start3A_21 = tpu.memref_slice %arg3[%dma_start3A_19, %dma_start3A_20] : memref<24000x128xf32, #tpu.memory_space<hbm>> -> memref<24000x128xf32, #tpu.memory_space<hbm>>
    tpu.enqueue_indirect_dma source(%dma_start3A_21 : memref<24000x128xf32, #tpu.memory_space<hbm>>) target(%dma_start3A_16 : memref<128x128xf32, #tpu.memory_space<vmem>>) offsets(%dma_start3A_18 : memref<128xi32, #tpu.memory_space<vmem>>) semaphore(%arg7 : memref<!tpu.dma_semaphore, #tpu.memory_space<semaphore_mem>>)
    %dma_start3A_22 = arith.constant 1 : i32
    %dma_start3A_23 = arith.constant 0 : i32
    %dma_start3A_24 = arith.constant 0 : i32
    %dma_start3A_25 = tpu.memref_slice %arg6[%dma_start3A_22, %dma_start3A_23, %dma_start3A_24] : memref<3x256x128xf32, #tpu.memory_space<vmem>> -> memref<1x128x128xf32, #tpu.memory_space<vmem>>
    %dma_start3A_26 = tpu.memref_squeeze %dma_start3A_25 : memref<1x128x128xf32, #tpu.memory_space<vmem>> -> memref<128x128xf32, #tpu.memory_space<vmem>>
    %dma_start3A_27 = arith.constant 256 : i32
    %dma_start3A_28 = tpu.memref_slice %arg5[%dma_start3A_27] : memref<6400xi32, #tpu.memory_space<vmem>> -> memref<128xi32, #tpu.memory_space<vmem>>
    %dma_start3A_29 = arith.constant 0 : i32
    %dma_start3A_30 = arith.constant 0 : i32
    %dma_start3A_31 = tpu.memref_slice %arg3[%dma_start3A_29, %dma_start3A_30] : memref<24000x128xf32, #tpu.memory_space<hbm>> -> memref<24000x128xf32, #tpu.memory_space<hbm>>
    tpu.enqueue_indirect_dma source(%dma_start3A_31 : memref<24000x128xf32, #tpu.memory_space<hbm>>) target(%dma_start3A_26 : memref<128x128xf32, #tpu.memory_space<vmem>>) offsets(%dma_start3A_28 : memref<128xi32, #tpu.memory_space<vmem>>) semaphore(%arg8 : memref<!tpu.dma_semaphore, #tpu.memory_space<semaphore_mem>>)
    %dma_start3A_32 = arith.constant 1 : i32
    %dma_start3A_33 = arith.constant 128 : i32
    %dma_start3A_34 = arith.constant 0 : i32
    %dma_start3A_35 = tpu.memref_slice %arg6[%dma_start3A_32, %dma_start3A_33, %dma_start3A_34] : memref<3x256x128xf32, #tpu.memory_space<vmem>> -> memref<1x128x128xf32, #tpu.memory_space<vmem>>
    %dma_start3A_36 = tpu.memref_squeeze %dma_start3A_35 : memref<1x128x128xf32, #tpu.memory_space<vmem>> -> memref<128x128xf32, #tpu.memory_space<vmem>>
    %dma_start3A_37 = arith.constant 384 : i32
    %dma_start3A_38 = tpu.memref_slice %arg5[%dma_start3A_37] : memref<6400xi32, #tpu.memory_space<vmem>> -> memref<128xi32, #tpu.memory_space<vmem>>
    %dma_start3A_39 = arith.constant 0 : i32
    %dma_start3A_40 = arith.constant 0 : i32
    %dma_start3A_41 = tpu.memref_slice %arg3[%dma_start3A_39, %dma_start3A_40] : memref<24000x128xf32, #tpu.memory_space<hbm>> -> memref<24000x128xf32, #tpu.memory_space<hbm>>
    tpu.enqueue_indirect_dma source(%dma_start3A_41 : memref<24000x128xf32, #tpu.memory_space<hbm>>) target(%dma_start3A_36 : memref<128x128xf32, #tpu.memory_space<vmem>>) offsets(%dma_start3A_38 : memref<128xi32, #tpu.memory_space<vmem>>) semaphore(%arg8 : memref<!tpu.dma_semaphore, #tpu.memory_space<semaphore_mem>>)
    %scan3A = arith.constant 0 : i32
    %scan3A_42 = arith.constant 0 : i32
    %scan3A_43 = arith.constant 8 : i32
    %scan3A_44 = arith.addi %scan3A_42, %scan3A_43 : i32
    %scan3A_45 = arith.constant 1 : i32
    scf.for %scan3A_126 = %scan3A_42 to %scan3A_44 step %scan3A_45  : i32 {
      %mul3A_127 = arith.constant 3 : i32
      %mul3A_128 = arith.muli %scan3A_126, %mul3A_127 : i32
      %add3A_129 = arith.constant 0 : i32
      %add3A_130 = arith.addi %mul3A_128, %add3A_129 : i32
      %mul3A_131 = arith.constant 2 : i32
      %mul3A_132 = arith.muli %add3A_130, %mul3A_131 : i32
      %add3A_133 = arith.constant 0 : i32
      %add3A_134 = arith.addi %mul3A_132, %add3A_133 : i32
      %mul3A_135 = arith.constant 128 : i32
      %mul3A_136 = arith.muli %add3A_134, %mul3A_135 : i32
      %dma_wait3A_137 = arith.constant 0 : i32
      %dma_wait3A_138 = arith.constant 0 : i32
      %dma_wait3A_139 = arith.constant 0 : i32
      %dma_wait3A_140 = tpu.memref_slice %arg6[%dma_wait3A_137, %dma_wait3A_138, %dma_wait3A_139] : memref<3x256x128xf32, #tpu.memory_space<vmem>> -> memref<1x128x128xf32, #tpu.memory_space<vmem>>
      %dma_wait3A_141 = tpu.memref_squeeze %dma_wait3A_140 : memref<1x128x128xf32, #tpu.memory_space<vmem>> -> memref<128x128xf32, #tpu.memory_space<vmem>>
      %dma_wait3A_142 = tpu.memref_slice %arg5[%mul3A_136] : memref<6400xi32, #tpu.memory_space<vmem>> -> memref<128xi32, #tpu.memory_space<vmem>>
      %dma_wait3A_143 = arith.constant 0 : i32
      %dma_wait3A_144 = arith.constant 0 : i32
      %dma_wait3A_145 = tpu.memref_slice %arg3[%dma_wait3A_143, %dma_wait3A_144] : memref<24000x128xf32, #tpu.memory_space<hbm>> -> memref<24000x128xf32, #tpu.memory_space<hbm>>
      tpu.wait_indirect_dma semaphore(%arg7 : memref<!tpu.dma_semaphore, #tpu.memory_space<semaphore_mem>>) src(%dma_wait3A_145 : memref<24000x128xf32, #tpu.memory_space<hbm>>) dst(%dma_wait3A_141 : memref<128x128xf32, #tpu.memory_space<vmem>>)
      %mul3A_146 = arith.constant 2 : i32
      %mul3A_147 = arith.muli %add3A_130, %mul3A_146 : i32
      %add3A_148 = arith.constant 1 : i32
      %add3A_149 = arith.addi %mul3A_147, %add3A_148 : i32
      %mul3A_150 = arith.constant 128 : i32
      %mul3A_151 = arith.muli %add3A_149, %mul3A_150 : i32
      %dma_wait3A_152 = arith.constant 0 : i32
      %dma_wait3A_153 = arith.constant 128 : i32
      %dma_wait3A_154 = arith.constant 0 : i32
      %dma_wait3A_155 = tpu.memref_slice %arg6[%dma_wait3A_152, %dma_wait3A_153, %dma_wait3A_154] : memref<3x256x128xf32, #tpu.memory_space<vmem>> -> memref<1x128x128xf32, #tpu.memory_space<vmem>>
      %dma_wait3A_156 = tpu.memref_squeeze %dma_wait3A_155 : memref<1x128x128xf32, #tpu.memory_space<vmem>> -> memref<128x128xf32, #tpu.memory_space<vmem>>
      %dma_wait3A_157 = tpu.memref_slice %arg5[%mul3A_151] : memref<6400xi32, #tpu.memory_space<vmem>> -> memref<128xi32, #tpu.memory_space<vmem>>
      %dma_wait3A_158 = arith.constant 0 : i32
      %dma_wait3A_159 = arith.constant 0 : i32
      %dma_wait3A_160 = tpu.memref_slice %arg3[%dma_wait3A_158, %dma_wait3A_159] : memref<24000x128xf32, #tpu.memory_space<hbm>> -> memref<24000x128xf32, #tpu.memory_space<hbm>>
      tpu.wait_indirect_dma semaphore(%arg7 : memref<!tpu.dma_semaphore, #tpu.memory_space<semaphore_mem>>) src(%dma_wait3A_160 : memref<24000x128xf32, #tpu.memory_space<hbm>>) dst(%dma_wait3A_156 : memref<128x128xf32, #tpu.memory_space<vmem>>)
      %mul3A_161 = arith.constant 256 : i32
      %mul3A_162 = arith.muli %add3A_130, %mul3A_161 : i32
      %add3A_163 = arith.addi %mul3A_2, %mul3A_162 : i32
      %dma_start3A_164 = arith.constant 0 : i32
      %dma_start3A_165 = arith.constant 0 : i32
      %dma_start3A_166 = arith.constant 0 : i32
      %dma_start3A_167 = tpu.memref_slice %arg6[%dma_start3A_164, %dma_start3A_165, %dma_start3A_166] : memref<3x256x128xf32, #tpu.memory_space<vmem>> -> memref<1x256x128xf32, #tpu.memory_space<vmem>>
      %dma_start3A_168 = tpu.memref_squeeze %dma_start3A_167 : memref<1x256x128xf32, #tpu.memory_space<vmem>> -> memref<256x128xf32, #tpu.memory_space<vmem>>
      %dma_start3A_169 = arith.constant 0 : i32
      %dma_start3A_170 = tpu.memref_slice %arg4[%add3A_163, %dma_start3A_169] : memref<204800x128xf32, #tpu.memory_space<hbm>> -> memref<256x128xf32, #tpu.memory_space<hbm>>
      %dma_start3A_171 = arith.constant 0 : i32
      %dma_start3A_172 = tpu.memref_slice %arg4[%add3A_163, %dma_start3A_171] : memref<204800x128xf32, #tpu.memory_space<hbm>> -> memref<256x128xf32, #tpu.memory_space<hbm>>
      %dma_start3A_173 = arith.constant 0 : i32
      %dma_start3A_174 = arith.constant 0 : i32
      %dma_start3A_175 = tpu.memref_slice %arg6[%dma_start3A_164, %dma_start3A_173, %dma_start3A_174] : memref<3x256x128xf32, #tpu.memory_space<vmem>> -> memref<1x256x128xf32, #tpu.memory_space<vmem>>
      %dma_start3A_176 = tpu.memref_squeeze %dma_start3A_175 : memref<1x256x128xf32, #tpu.memory_space<vmem>> -> memref<256x128xf32, #tpu.memory_space<vmem>>
      tpu.enqueue_dma source(%dma_start3A_176 : memref<256x128xf32, #tpu.memory_space<vmem>>) target(%dma_start3A_172 : memref<256x128xf32, #tpu.memory_space<hbm>>) target_semaphore(%arg10 : memref<!tpu.dma_semaphore, #tpu.memory_space<semaphore_mem>>)
      %le3A = arith.constant 22 : i32
      %le3A_177 = arith.cmpi sle, %add3A_130, %le3A : i32
      %convert_element_type3A = arith.extui %le3A_177 : i1 to i32
      %cond3A = arith.constant 0 : i32
      %cond3A_178 = arith.cmpi ne, %convert_element_type3A, %cond3A : i32
      scf.if %cond3A_178 {
        %ge3A = arith.constant 1 : i32
        %ge3A_289 = arith.cmpi sge, %add3A_130, %ge3A : i32
        %convert_element_type3A_290 = arith.extui %ge3A_289 : i1 to i32
        %cond3A_291 = arith.constant 0 : i32
        %cond3A_292 = arith.cmpi ne, %convert_element_type3A_290, %cond3A_291 : i32
        scf.if %cond3A_292 {
          %sub3A = arith.constant 1 : i32
          %sub3A_327 = arith.subi %add3A_130, %sub3A : i32
          %mul3A_328 = arith.constant 256 : i32
          %mul3A_329 = arith.muli %sub3A_327, %mul3A_328 : i32
          %add3A_330 = arith.addi %mul3A_2, %mul3A_329 : i32
          %dma_wait3A_331 = arith.constant 2 : i32
          %dma_wait3A_332 = arith.constant 0 : i32
          %dma_wait3A_333 = arith.constant 0 : i32
          %dma_wait3A_334 = tpu.memref_slice %arg6[%dma_wait3A_331, %dma_wait3A_332, %dma_wait3A_333] : memref<3x256x128xf32, #tpu.memory_space<vmem>> -> memref<1x256x128xf32, #tpu.memory_space<vmem>>
          %dma_wait3A_335 = tpu.memref_squeeze %dma_wait3A_334 : memref<1x256x128xf32, #tpu.memory_space<vmem>> -> memref<256x128xf32, #tpu.memory_space<vmem>>
          %dma_wait3A_336 = arith.constant 0 : i32
          %dma_wait3A_337 = tpu.memref_slice %arg4[%add3A_330, %dma_wait3A_336] : memref<204800x128xf32, #tpu.memory_space<hbm>> -> memref<256x128xf32, #tpu.memory_space<hbm>>
          %dma_wait3A_338 = arith.constant 0 : i32
          %dma_wait3A_339 = tpu.memref_slice %arg4[%add3A_330, %dma_wait3A_338] : memref<204800x128xf32, #tpu.memory_space<hbm>> -> memref<256x128xf32, #tpu.memory_space<hbm>>
          %dma_wait3A_340 = arith.constant 0 : i32
          %dma_wait3A_341 = arith.constant 0 : i32
          %dma_wait3A_342 = tpu.memref_slice %arg6[%dma_wait3A_331, %dma_wait3A_340, %dma_wait3A_341] : memref<3x256x128xf32, #tpu.memory_space<vmem>> -> memref<1x256x128xf32, #tpu.memory_space<vmem>>
          %dma_wait3A_343 = tpu.memref_squeeze %dma_wait3A_342 : memref<1x256x128xf32, #tpu.memory_space<vmem>> -> memref<256x128xf32, #tpu.memory_space<vmem>>
          tpu.wait_dma2 semaphore(%arg12 : memref<!tpu.dma_semaphore, #tpu.memory_space<semaphore_mem>>) src(%dma_wait3A_343 : memref<256x128xf32, #tpu.memory_space<vmem>>) dst(%dma_wait3A_339 : memref<256x128xf32, #tpu.memory_space<hbm>>)
        } else {
        }
        %add3A_293 = arith.constant 2 : i32
        %add3A_294 = arith.addi %add3A_130, %add3A_293 : i32
        %mul3A_295 = arith.constant 2 : i32
        %mul3A_296 = arith.muli %add3A_294, %mul3A_295 : i32
        %add3A_297 = arith.constant 0 : i32
        %add3A_298 = arith.addi %mul3A_296, %add3A_297 : i32
        %mul3A_299 = arith.constant 128 : i32
        %mul3A_300 = arith.muli %add3A_298, %mul3A_299 : i32
        %dma_start3A_301 = arith.constant 2 : i32
        %dma_start3A_302 = arith.constant 0 : i32
        %dma_start3A_303 = arith.constant 0 : i32
        %dma_start3A_304 = tpu.memref_slice %arg6[%dma_start3A_301, %dma_start3A_302, %dma_start3A_303] : memref<3x256x128xf32, #tpu.memory_space<vmem>> -> memref<1x128x128xf32, #tpu.memory_space<vmem>>
        %dma_start3A_305 = tpu.memref_squeeze %dma_start3A_304 : memref<1x128x128xf32, #tpu.memory_space<vmem>> -> memref<128x128xf32, #tpu.memory_space<vmem>>
        %dma_start3A_306 = tpu.memref_slice %arg5[%mul3A_300] : memref<6400xi32, #tpu.memory_space<vmem>> -> memref<128xi32, #tpu.memory_space<vmem>>
        %dma_start3A_307 = arith.constant 0 : i32
        %dma_start3A_308 = arith.constant 0 : i32
        %dma_start3A_309 = tpu.memref_slice %arg3[%dma_start3A_307, %dma_start3A_308] : memref<24000x128xf32, #tpu.memory_space<hbm>> -> memref<24000x128xf32, #tpu.memory_space<hbm>>
        tpu.enqueue_indirect_dma source(%dma_start3A_309 : memref<24000x128xf32, #tpu.memory_space<hbm>>) target(%dma_start3A_305 : memref<128x128xf32, #tpu.memory_space<vmem>>) offsets(%dma_start3A_306 : memref<128xi32, #tpu.memory_space<vmem>>) semaphore(%arg9 : memref<!tpu.dma_semaphore, #tpu.memory_space<semaphore_mem>>)
        %add3A_310 = arith.constant 2 : i32
        %add3A_311 = arith.addi %add3A_130, %add3A_310 : i32
        %mul3A_312 = arith.constant 2 : i32
        %mul3A_313 = arith.muli %add3A_311, %mul3A_312 : i32
        %add3A_314 = arith.constant 1 : i32
        %add3A_315 = arith.addi %mul3A_313, %add3A_314 : i32
        %mul3A_316 = arith.constant 128 : i32
        %mul3A_317 = arith.muli %add3A_315, %mul3A_316 : i32
        %dma_start3A_318 = arith.constant 2 : i32
        %dma_start3A_319 = arith.constant 128 : i32
        %dma_start3A_320 = arith.constant 0 : i32
        %dma_start3A_321 = tpu.memref_slice %arg6[%dma_start3A_318, %dma_start3A_319, %dma_start3A_320] : memref<3x256x128xf32, #tpu.memory_space<vmem>> -> memref<1x128x128xf32, #tpu.memory_space<vmem>>
        %dma_start3A_322 = tpu.memref_squeeze %dma_start3A_321 : memref<1x128x128xf32, #tpu.memory_space<vmem>> -> memref<128x128xf32, #tpu.memory_space<vmem>>
        %dma_start3A_323 = tpu.memref_slice %arg5[%mul3A_317] : memref<6400xi32, #tpu.memory_space<vmem>> -> memref<128xi32, #tpu.memory_space<vmem>>
        %dma_start3A_324 = arith.constant 0 : i32
        %dma_start3A_325 = arith.constant 0 : i32
        %dma_start3A_326 = tpu.memref_slice %arg3[%dma_start3A_324, %dma_start3A_325] : memref<24000x128xf32, #tpu.memory_space<hbm>> -> memref<24000x128xf32, #tpu.memory_space<hbm>>
        tpu.enqueue_indirect_dma source(%dma_start3A_326 : memref<24000x128xf32, #tpu.memory_space<hbm>>) target(%dma_start3A_322 : memref<128x128xf32, #tpu.memory_space<vmem>>) offsets(%dma_start3A_323 : memref<128xi32, #tpu.memory_space<vmem>>) semaphore(%arg9 : memref<!tpu.dma_semaphore, #tpu.memory_space<semaphore_mem>>)
      } else {
      }
      %mul3A_179 = arith.constant 3 : i32
      %mul3A_180 = arith.muli %scan3A_126, %mul3A_179 : i32
      %add3A_181 = arith.constant 1 : i32
      %add3A_182 = arith.addi %mul3A_180, %add3A_181 : i32
      %mul3A_183 = arith.constant 2 : i32
      %mul3A_184 = arith.muli %add3A_182, %mul3A_183 : i32
      %add3A_185 = arith.constant 0 : i32
      %add3A_186 = arith.addi %mul3A_184, %add3A_185 : i32
      %mul3A_187 = arith.constant 128 : i32
      %mul3A_188 = arith.muli %add3A_186, %mul3A_187 : i32
      %dma_wait3A_189 = arith.constant 1 : i32
      %dma_wait3A_190 = arith.constant 0 : i32
      %dma_wait3A_191 = arith.constant 0 : i32
      %dma_wait3A_192 = tpu.memref_slice %arg6[%dma_wait3A_189, %dma_wait3A_190, %dma_wait3A_191] : memref<3x256x128xf32, #tpu.memory_space<vmem>> -> memref<1x128x128xf32, #tpu.memory_space<vmem>>
      %dma_wait3A_193 = tpu.memref_squeeze %dma_wait3A_192 : memref<1x128x128xf32, #tpu.memory_space<vmem>> -> memref<128x128xf32, #tpu.memory_space<vmem>>
      %dma_wait3A_194 = tpu.memref_slice %arg5[%mul3A_188] : memref<6400xi32, #tpu.memory_space<vmem>> -> memref<128xi32, #tpu.memory_space<vmem>>
      %dma_wait3A_195 = arith.constant 0 : i32
      %dma_wait3A_196 = arith.constant 0 : i32
      %dma_wait3A_197 = tpu.memref_slice %arg3[%dma_wait3A_195, %dma_wait3A_196] : memref<24000x128xf32, #tpu.memory_space<hbm>> -> memref<24000x128xf32, #tpu.memory_space<hbm>>
      tpu.wait_indirect_dma semaphore(%arg8 : memref<!tpu.dma_semaphore, #tpu.memory_space<semaphore_mem>>) src(%dma_wait3A_197 : memref<24000x128xf32, #tpu.memory_space<hbm>>) dst(%dma_wait3A_193 : memref<128x128xf32, #tpu.memory_space<vmem>>)
      %mul3A_198 = arith.constant 2 : i32
      %mul3A_199 = arith.muli %add3A_182, %mul3A_198 : i32
      %add3A_200 = arith.constant 1 : i32
      %add3A_201 = arith.addi %mul3A_199, %add3A_200 : i32
      %mul3A_202 = arith.constant 128 : i32
      %mul3A_203 = arith.muli %add3A_201, %mul3A_202 : i32
      %dma_wait3A_204 = arith.constant 1 : i32
      %dma_wait3A_205 = arith.constant 128 : i32
      %dma_wait3A_206 = arith.constant 0 : i32
      %dma_wait3A_207 = tpu.memref_slice %arg6[%dma_wait3A_204, %dma_wait3A_205, %dma_wait3A_206] : memref<3x256x128xf32, #tpu.memory_space<vmem>> -> memref<1x128x128xf32, #tpu.memory_space<vmem>>
      %dma_wait3A_208 = tpu.memref_squeeze %dma_wait3A_207 : memref<1x128x128xf32, #tpu.memory_space<vmem>> -> memref<128x128xf32, #tpu.memory_space<vmem>>
      %dma_wait3A_209 = tpu.memref_slice %arg5[%mul3A_203] : memref<6400xi32, #tpu.memory_space<vmem>> -> memref<128xi32, #tpu.memory_space<vmem>>
      %dma_wait3A_210 = arith.constant 0 : i32
      %dma_wait3A_211 = arith.constant 0 : i32
      %dma_wait3A_212 = tpu.memref_slice %arg3[%dma_wait3A_210, %dma_wait3A_211] : memref<24000x128xf32, #tpu.memory_space<hbm>> -> memref<24000x128xf32, #tpu.memory_space<hbm>>
      tpu.wait_indirect_dma semaphore(%arg8 : memref<!tpu.dma_semaphore, #tpu.memory_space<semaphore_mem>>) src(%dma_wait3A_212 : memref<24000x128xf32, #tpu.memory_space<hbm>>) dst(%dma_wait3A_208 : memref<128x128xf32, #tpu.memory_space<vmem>>)
      %mul3A_213 = arith.constant 256 : i32
      %mul3A_214 = arith.muli %add3A_182, %mul3A_213 : i32
      %add3A_215 = arith.addi %mul3A_2, %mul3A_214 : i32
      %dma_start3A_216 = arith.constant 1 : i32
      %dma_start3A_217 = arith.constant 0 : i32
      %dma_start3A_218 = arith.constant 0 : i32
      %dma_start3A_219 = tpu.memref_slice %arg6[%dma_start3A_216, %dma_start3A_217, %dma_start3A_218] : memref<3x256x128xf32, #tpu.memory_space<vmem>> -> memref<1x256x128xf32, #tpu.memory_space<vmem>>
      %dma_start3A_220 = tpu.memref_squeeze %dma_start3A_219 : memref<1x256x128xf32, #tpu.memory_space<vmem>> -> memref<256x128xf32, #tpu.memory_space<vmem>>
      %dma_start3A_221 = arith.constant 0 : i32
      %dma_start3A_222 = tpu.memref_slice %arg4[%add3A_215, %dma_start3A_221] : memref<204800x128xf32, #tpu.memory_space<hbm>> -> memref<256x128xf32, #tpu.memory_space<hbm>>
      %dma_start3A_223 = arith.constant 0 : i32
      %dma_start3A_224 = tpu.memref_slice %arg4[%add3A_215, %dma_start3A_223] : memref<204800x128xf32, #tpu.memory_space<hbm>> -> memref<256x128xf32, #tpu.memory_space<hbm>>
      %dma_start3A_225 = arith.constant 0 : i32
      %dma_start3A_226 = arith.constant 0 : i32
      %dma_start3A_227 = tpu.memref_slice %arg6[%dma_start3A_216, %dma_start3A_225, %dma_start3A_226] : memref<3x256x128xf32, #tpu.memory_space<vmem>> -> memref<1x256x128xf32, #tpu.memory_space<vmem>>
      %dma_start3A_228 = tpu.memref_squeeze %dma_start3A_227 : memref<1x256x128xf32, #tpu.memory_space<vmem>> -> memref<256x128xf32, #tpu.memory_space<vmem>>
      tpu.enqueue_dma source(%dma_start3A_228 : memref<256x128xf32, #tpu.memory_space<vmem>>) target(%dma_start3A_224 : memref<256x128xf32, #tpu.memory_space<hbm>>) target_semaphore(%arg11 : memref<!tpu.dma_semaphore, #tpu.memory_space<semaphore_mem>>)
      %le3A_229 = arith.constant 22 : i32
      %le3A_230 = arith.cmpi sle, %add3A_182, %le3A_229 : i32
      %convert_element_type3A_231 = arith.extui %le3A_230 : i1 to i32
      %cond3A_232 = arith.constant 0 : i32
      %cond3A_233 = arith.cmpi ne, %convert_element_type3A_231, %cond3A_232 : i32
      scf.if %cond3A_233 {
        %ge3A = arith.constant 1 : i32
        %ge3A_289 = arith.cmpi sge, %add3A_182, %ge3A : i32
        %convert_element_type3A_290 = arith.extui %ge3A_289 : i1 to i32
        %cond3A_291 = arith.constant 0 : i32
        %cond3A_292 = arith.cmpi ne, %convert_element_type3A_290, %cond3A_291 : i32
        scf.if %cond3A_292 {
          %sub3A = arith.constant 1 : i32
          %sub3A_327 = arith.subi %add3A_182, %sub3A : i32
          %mul3A_328 = arith.constant 256 : i32
          %mul3A_329 = arith.muli %sub3A_327, %mul3A_328 : i32
          %add3A_330 = arith.addi %mul3A_2, %mul3A_329 : i32
          %dma_wait3A_331 = arith.constant 0 : i32
          %dma_wait3A_332 = arith.constant 0 : i32
          %dma_wait3A_333 = arith.constant 0 : i32
          %dma_wait3A_334 = tpu.memref_slice %arg6[%dma_wait3A_331, %dma_wait3A_332, %dma_wait3A_333] : memref<3x256x128xf32, #tpu.memory_space<vmem>> -> memref<1x256x128xf32, #tpu.memory_space<vmem>>
          %dma_wait3A_335 = tpu.memref_squeeze %dma_wait3A_334 : memref<1x256x128xf32, #tpu.memory_space<vmem>> -> memref<256x128xf32, #tpu.memory_space<vmem>>
          %dma_wait3A_336 = arith.constant 0 : i32
          %dma_wait3A_337 = tpu.memref_slice %arg4[%add3A_330, %dma_wait3A_336] : memref<204800x128xf32, #tpu.memory_space<hbm>> -> memref<256x128xf32, #tpu.memory_space<hbm>>
          %dma_wait3A_338 = arith.constant 0 : i32
          %dma_wait3A_339 = tpu.memref_slice %arg4[%add3A_330, %dma_wait3A_338] : memref<204800x128xf32, #tpu.memory_space<hbm>> -> memref<256x128xf32, #tpu.memory_space<hbm>>
          %dma_wait3A_340 = arith.constant 0 : i32
          %dma_wait3A_341 = arith.constant 0 : i32
          %dma_wait3A_342 = tpu.memref_slice %arg6[%dma_wait3A_331, %dma_wait3A_340, %dma_wait3A_341] : memref<3x256x128xf32, #tpu.memory_space<vmem>> -> memref<1x256x128xf32, #tpu.memory_space<vmem>>
          %dma_wait3A_343 = tpu.memref_squeeze %dma_wait3A_342 : memref<1x256x128xf32, #tpu.memory_space<vmem>> -> memref<256x128xf32, #tpu.memory_space<vmem>>
          tpu.wait_dma2 semaphore(%arg10 : memref<!tpu.dma_semaphore, #tpu.memory_space<semaphore_mem>>) src(%dma_wait3A_343 : memref<256x128xf32, #tpu.memory_space<vmem>>) dst(%dma_wait3A_339 : memref<256x128xf32, #tpu.memory_space<hbm>>)
        } else {
        }
        %add3A_293 = arith.constant 2 : i32
        %add3A_294 = arith.addi %add3A_182, %add3A_293 : i32
        %mul3A_295 = arith.constant 2 : i32
        %mul3A_296 = arith.muli %add3A_294, %mul3A_295 : i32
        %add3A_297 = arith.constant 0 : i32
        %add3A_298 = arith.addi %mul3A_296, %add3A_297 : i32
        %mul3A_299 = arith.constant 128 : i32
        %mul3A_300 = arith.muli %add3A_298, %mul3A_299 : i32
        %dma_start3A_301 = arith.constant 0 : i32
        %dma_start3A_302 = arith.constant 0 : i32
        %dma_start3A_303 = arith.constant 0 : i32
        %dma_start3A_304 = tpu.memref_slice %arg6[%dma_start3A_301, %dma_start3A_302, %dma_start3A_303] : memref<3x256x128xf32, #tpu.memory_space<vmem>> -> memref<1x128x128xf32, #tpu.memory_space<vmem>>
        %dma_start3A_305 = tpu.memref_squeeze %dma_start3A_304 : memref<1x128x128xf32, #tpu.memory_space<vmem>> -> memref<128x128xf32, #tpu.memory_space<vmem>>
        %dma_start3A_306 = tpu.memref_slice %arg5[%mul3A_300] : memref<6400xi32, #tpu.memory_space<vmem>> -> memref<128xi32, #tpu.memory_space<vmem>>
        %dma_start3A_307 = arith.constant 0 : i32
        %dma_start3A_308 = arith.constant 0 : i32
        %dma_start3A_309 = tpu.memref_slice %arg3[%dma_start3A_307, %dma_start3A_308] : memref<24000x128xf32, #tpu.memory_space<hbm>> -> memref<24000x128xf32, #tpu.memory_space<hbm>>
        tpu.enqueue_indirect_dma source(%dma_start3A_309 : memref<24000x128xf32, #tpu.memory_space<hbm>>) target(%dma_start3A_305 : memref<128x128xf32, #tpu.memory_space<vmem>>) offsets(%dma_start3A_306 : memref<128xi32, #tpu.memory_space<vmem>>) semaphore(%arg7 : memref<!tpu.dma_semaphore, #tpu.memory_space<semaphore_mem>>)
        %add3A_310 = arith.constant 2 : i32
        %add3A_311 = arith.addi %add3A_182, %add3A_310 : i32
        %mul3A_312 = arith.constant 2 : i32
        %mul3A_313 = arith.muli %add3A_311, %mul3A_312 : i32
        %add3A_314 = arith.constant 1 : i32
        %add3A_315 = arith.addi %mul3A_313, %add3A_314 : i32
        %mul3A_316 = arith.constant 128 : i32
        %mul3A_317 = arith.muli %add3A_315, %mul3A_316 : i32
        %dma_start3A_318 = arith.constant 0 : i32
        %dma_start3A_319 = arith.constant 128 : i32
        %dma_start3A_320 = arith.constant 0 : i32
        %dma_start3A_321 = tpu.memref_slice %arg6[%dma_start3A_318, %dma_start3A_319, %dma_start3A_320] : memref<3x256x128xf32, #tpu.memory_space<vmem>> -> memref<1x128x128xf32, #tpu.memory_space<vmem>>
        %dma_start3A_322 = tpu.memref_squeeze %dma_start3A_321 : memref<1x128x128xf32, #tpu.memory_space<vmem>> -> memref<128x128xf32, #tpu.memory_space<vmem>>
        %dma_start3A_323 = tpu.memref_slice %arg5[%mul3A_317] : memref<6400xi32, #tpu.memory_space<vmem>> -> memref<128xi32, #tpu.memory_space<vmem>>
        %dma_start3A_324 = arith.constant 0 : i32
        %dma_start3A_325 = arith.constant 0 : i32
        %dma_start3A_326 = tpu.memref_slice %arg3[%dma_start3A_324, %dma_start3A_325] : memref<24000x128xf32, #tpu.memory_space<hbm>> -> memref<24000x128xf32, #tpu.memory_space<hbm>>
        tpu.enqueue_indirect_dma source(%dma_start3A_326 : memref<24000x128xf32, #tpu.memory_space<hbm>>) target(%dma_start3A_322 : memref<128x128xf32, #tpu.memory_space<vmem>>) offsets(%dma_start3A_323 : memref<128xi32, #tpu.memory_space<vmem>>) semaphore(%arg7 : memref<!tpu.dma_semaphore, #tpu.memory_space<semaphore_mem>>)
      } else {
      }
      %mul3A_234 = arith.constant 3 : i32
      %mul3A_235 = arith.muli %scan3A_126, %mul3A_234 : i32
      %add3A_236 = arith.constant 2 : i32
      %add3A_237 = arith.addi %mul3A_235, %add3A_236 : i32
      %mul3A_238 = arith.constant 2 : i32
      %mul3A_239 = arith.muli %add3A_237, %mul3A_238 : i32
      %add3A_240 = arith.constant 0 : i32
      %add3A_241 = arith.addi %mul3A_239, %add3A_240 : i32
      %mul3A_242 = arith.constant 128 : i32
      %mul3A_243 = arith.muli %add3A_241, %mul3A_242 : i32
      %dma_wait3A_244 = arith.constant 2 : i32
      %dma_wait3A_245 = arith.constant 0 : i32
      %dma_wait3A_246 = arith.constant 0 : i32
      %dma_wait3A_247 = tpu.memref_slice %arg6[%dma_wait3A_244, %dma_wait3A_245, %dma_wait3A_246] : memref<3x256x128xf32, #tpu.memory_space<vmem>> -> memref<1x128x128xf32, #tpu.memory_space<vmem>>
      %dma_wait3A_248 = tpu.memref_squeeze %dma_wait3A_247 : memref<1x128x128xf32, #tpu.memory_space<vmem>> -> memref<128x128xf32, #tpu.memory_space<vmem>>
      %dma_wait3A_249 = tpu.memref_slice %arg5[%mul3A_243] : memref<6400xi32, #tpu.memory_space<vmem>> -> memref<128xi32, #tpu.memory_space<vmem>>
      %dma_wait3A_250 = arith.constant 0 : i32
      %dma_wait3A_251 = arith.constant 0 : i32
      %dma_wait3A_252 = tpu.memref_slice %arg3[%dma_wait3A_250, %dma_wait3A_251] : memref<24000x128xf32, #tpu.memory_space<hbm>> -> memref<24000x128xf32, #tpu.memory_space<hbm>>
      tpu.wait_indirect_dma semaphore(%arg9 : memref<!tpu.dma_semaphore, #tpu.memory_space<semaphore_mem>>) src(%dma_wait3A_252 : memref<24000x128xf32, #tpu.memory_space<hbm>>) dst(%dma_wait3A_248 : memref<128x128xf32, #tpu.memory_space<vmem>>)
      %mul3A_253 = arith.constant 2 : i32
      %mul3A_254 = arith.muli %add3A_237, %mul3A_253 : i32
      %add3A_255 = arith.constant 1 : i32
      %add3A_256 = arith.addi %mul3A_254, %add3A_255 : i32
      %mul3A_257 = arith.constant 128 : i32
      %mul3A_258 = arith.muli %add3A_256, %mul3A_257 : i32
      %dma_wait3A_259 = arith.constant 2 : i32
      %dma_wait3A_260 = arith.constant 128 : i32
      %dma_wait3A_261 = arith.constant 0 : i32
      %dma_wait3A_262 = tpu.memref_slice %arg6[%dma_wait3A_259, %dma_wait3A_260, %dma_wait3A_261] : memref<3x256x128xf32, #tpu.memory_space<vmem>> -> memref<1x128x128xf32, #tpu.memory_space<vmem>>
      %dma_wait3A_263 = tpu.memref_squeeze %dma_wait3A_262 : memref<1x128x128xf32, #tpu.memory_space<vmem>> -> memref<128x128xf32, #tpu.memory_space<vmem>>
      %dma_wait3A_264 = tpu.memref_slice %arg5[%mul3A_258] : memref<6400xi32, #tpu.memory_space<vmem>> -> memref<128xi32, #tpu.memory_space<vmem>>
      %dma_wait3A_265 = arith.constant 0 : i32
      %dma_wait3A_266 = arith.constant 0 : i32
      %dma_wait3A_267 = tpu.memref_slice %arg3[%dma_wait3A_265, %dma_wait3A_266] : memref<24000x128xf32, #tpu.memory_space<hbm>> -> memref<24000x128xf32, #tpu.memory_space<hbm>>
      tpu.wait_indirect_dma semaphore(%arg9 : memref<!tpu.dma_semaphore, #tpu.memory_space<semaphore_mem>>) src(%dma_wait3A_267 : memref<24000x128xf32, #tpu.memory_space<hbm>>) dst(%dma_wait3A_263 : memref<128x128xf32, #tpu.memory_space<vmem>>)
      %mul3A_268 = arith.constant 256 : i32
      %mul3A_269 = arith.muli %add3A_237, %mul3A_268 : i32
      %add3A_270 = arith.addi %mul3A_2, %mul3A_269 : i32
      %dma_start3A_271 = arith.constant 2 : i32
      %dma_start3A_272 = arith.constant 0 : i32
      %dma_start3A_273 = arith.constant 0 : i32
      %dma_start3A_274 = tpu.memref_slice %arg6[%dma_start3A_271, %dma_start3A_272, %dma_start3A_273] : memref<3x256x128xf32, #tpu.memory_space<vmem>> -> memref<1x256x128xf32, #tpu.memory_space<vmem>>
      %dma_start3A_275 = tpu.memref_squeeze %dma_start3A_274 : memref<1x256x128xf32, #tpu.memory_space<vmem>> -> memref<256x128xf32, #tpu.memory_space<vmem>>
      %dma_start3A_276 = arith.constant 0 : i32
      %dma_start3A_277 = tpu.memref_slice %arg4[%add3A_270, %dma_start3A_276] : memref<204800x128xf32, #tpu.memory_space<hbm>> -> memref<256x128xf32, #tpu.memory_space<hbm>>
      %dma_start3A_278 = arith.constant 0 : i32
      %dma_start3A_279 = tpu.memref_slice %arg4[%add3A_270, %dma_start3A_278] : memref<204800x128xf32, #tpu.memory_space<hbm>> -> memref<256x128xf32, #tpu.memory_space<hbm>>
      %dma_start3A_280 = arith.constant 0 : i32
      %dma_start3A_281 = arith.constant 0 : i32
      %dma_start3A_282 = tpu.memref_slice %arg6[%dma_start3A_271, %dma_start3A_280, %dma_start3A_281] : memref<3x256x128xf32, #tpu.memory_space<vmem>> -> memref<1x256x128xf32, #tpu.memory_space<vmem>>
      %dma_start3A_283 = tpu.memref_squeeze %dma_start3A_282 : memref<1x256x128xf32, #tpu.memory_space<vmem>> -> memref<256x128xf32, #tpu.memory_space<vmem>>
      tpu.enqueue_dma source(%dma_start3A_283 : memref<256x128xf32, #tpu.memory_space<vmem>>) target(%dma_start3A_279 : memref<256x128xf32, #tpu.memory_space<hbm>>) target_semaphore(%arg12 : memref<!tpu.dma_semaphore, #tpu.memory_space<semaphore_mem>>)
      %le3A_284 = arith.constant 22 : i32
      %le3A_285 = arith.cmpi sle, %add3A_237, %le3A_284 : i32
      %convert_element_type3A_286 = arith.extui %le3A_285 : i1 to i32
      %cond3A_287 = arith.constant 0 : i32
      %cond3A_288 = arith.cmpi ne, %convert_element_type3A_286, %cond3A_287 : i32
      scf.if %cond3A_288 {
        %ge3A = arith.constant 1 : i32
        %ge3A_289 = arith.cmpi sge, %add3A_237, %ge3A : i32
        %convert_element_type3A_290 = arith.extui %ge3A_289 : i1 to i32
        %cond3A_291 = arith.constant 0 : i32
        %cond3A_292 = arith.cmpi ne, %convert_element_type3A_290, %cond3A_291 : i32
        scf.if %cond3A_292 {
          %sub3A = arith.constant 1 : i32
          %sub3A_327 = arith.subi %add3A_237, %sub3A : i32
          %mul3A_328 = arith.constant 256 : i32
          %mul3A_329 = arith.muli %sub3A_327, %mul3A_328 : i32
          %add3A_330 = arith.addi %mul3A_2, %mul3A_329 : i32
          %dma_wait3A_331 = arith.constant 1 : i32
          %dma_wait3A_332 = arith.constant 0 : i32
          %dma_wait3A_333 = arith.constant 0 : i32
          %dma_wait3A_334 = tpu.memref_slice %arg6[%dma_wait3A_331, %dma_wait3A_332, %dma_wait3A_333] : memref<3x256x128xf32, #tpu.memory_space<vmem>> -> memref<1x256x128xf32, #tpu.memory_space<vmem>>
          %dma_wait3A_335 = tpu.memref_squeeze %dma_wait3A_334 : memref<1x256x128xf32, #tpu.memory_space<vmem>> -> memref<256x128xf32, #tpu.memory_space<vmem>>
          %dma_wait3A_336 = arith.constant 0 : i32
          %dma_wait3A_337 = tpu.memref_slice %arg4[%add3A_330, %dma_wait3A_336] : memref<204800x128xf32, #tpu.memory_space<hbm>> -> memref<256x128xf32, #tpu.memory_space<hbm>>
          %dma_wait3A_338 = arith.constant 0 : i32
          %dma_wait3A_339 = tpu.memref_slice %arg4[%add3A_330, %dma_wait3A_338] : memref<204800x128xf32, #tpu.memory_space<hbm>> -> memref<256x128xf32, #tpu.memory_space<hbm>>
          %dma_wait3A_340 = arith.constant 0 : i32
          %dma_wait3A_341 = arith.constant 0 : i32
          %dma_wait3A_342 = tpu.memref_slice %arg6[%dma_wait3A_331, %dma_wait3A_340, %dma_wait3A_341] : memref<3x256x128xf32, #tpu.memory_space<vmem>> -> memref<1x256x128xf32, #tpu.memory_space<vmem>>
          %dma_wait3A_343 = tpu.memref_squeeze %dma_wait3A_342 : memref<1x256x128xf32, #tpu.memory_space<vmem>> -> memref<256x128xf32, #tpu.memory_space<vmem>>
          tpu.wait_dma2 semaphore(%arg11 : memref<!tpu.dma_semaphore, #tpu.memory_space<semaphore_mem>>) src(%dma_wait3A_343 : memref<256x128xf32, #tpu.memory_space<vmem>>) dst(%dma_wait3A_339 : memref<256x128xf32, #tpu.memory_space<hbm>>)
        } else {
        }
        %add3A_293 = arith.constant 2 : i32
        %add3A_294 = arith.addi %add3A_237, %add3A_293 : i32
        %mul3A_295 = arith.constant 2 : i32
        %mul3A_296 = arith.muli %add3A_294, %mul3A_295 : i32
        %add3A_297 = arith.constant 0 : i32
        %add3A_298 = arith.addi %mul3A_296, %add3A_297 : i32
        %mul3A_299 = arith.constant 128 : i32
        %mul3A_300 = arith.muli %add3A_298, %mul3A_299 : i32
        %dma_start3A_301 = arith.constant 1 : i32
        %dma_start3A_302 = arith.constant 0 : i32
        %dma_start3A_303 = arith.constant 0 : i32
        %dma_start3A_304 = tpu.memref_slice %arg6[%dma_start3A_301, %dma_start3A_302, %dma_start3A_303] : memref<3x256x128xf32, #tpu.memory_space<vmem>> -> memref<1x128x128xf32, #tpu.memory_space<vmem>>
        %dma_start3A_305 = tpu.memref_squeeze %dma_start3A_304 : memref<1x128x128xf32, #tpu.memory_space<vmem>> -> memref<128x128xf32, #tpu.memory_space<vmem>>
        %dma_start3A_306 = tpu.memref_slice %arg5[%mul3A_300] : memref<6400xi32, #tpu.memory_space<vmem>> -> memref<128xi32, #tpu.memory_space<vmem>>
        %dma_start3A_307 = arith.constant 0 : i32
        %dma_start3A_308 = arith.constant 0 : i32
        %dma_start3A_309 = tpu.memref_slice %arg3[%dma_start3A_307, %dma_start3A_308] : memref<24000x128xf32, #tpu.memory_space<hbm>> -> memref<24000x128xf32, #tpu.memory_space<hbm>>
        tpu.enqueue_indirect_dma source(%dma_start3A_309 : memref<24000x128xf32, #tpu.memory_space<hbm>>) target(%dma_start3A_305 : memref<128x128xf32, #tpu.memory_space<vmem>>) offsets(%dma_start3A_306 : memref<128xi32, #tpu.memory_space<vmem>>) semaphore(%arg8 : memref<!tpu.dma_semaphore, #tpu.memory_space<semaphore_mem>>)
        %add3A_310 = arith.constant 2 : i32
        %add3A_311 = arith.addi %add3A_237, %add3A_310 : i32
        %mul3A_312 = arith.constant 2 : i32
        %mul3A_313 = arith.muli %add3A_311, %mul3A_312 : i32
        %add3A_314 = arith.constant 1 : i32
        %add3A_315 = arith.addi %mul3A_313, %add3A_314 : i32
        %mul3A_316 = arith.constant 128 : i32
        %mul3A_317 = arith.muli %add3A_315, %mul3A_316 : i32
        %dma_start3A_318 = arith.constant 1 : i32
        %dma_start3A_319 = arith.constant 128 : i32
        %dma_start3A_320 = arith.constant 0 : i32
        %dma_start3A_321 = tpu.memref_slice %arg6[%dma_start3A_318, %dma_start3A_319, %dma_start3A_320] : memref<3x256x128xf32, #tpu.memory_space<vmem>> -> memref<1x128x128xf32, #tpu.memory_space<vmem>>
        %dma_start3A_322 = tpu.memref_squeeze %dma_start3A_321 : memref<1x128x128xf32, #tpu.memory_space<vmem>> -> memref<128x128xf32, #tpu.memory_space<vmem>>
        %dma_start3A_323 = tpu.memref_slice %arg5[%mul3A_317] : memref<6400xi32, #tpu.memory_space<vmem>> -> memref<128xi32, #tpu.memory_space<vmem>>
        %dma_start3A_324 = arith.constant 0 : i32
        %dma_start3A_325 = arith.constant 0 : i32
        %dma_start3A_326 = tpu.memref_slice %arg3[%dma_start3A_324, %dma_start3A_325] : memref<24000x128xf32, #tpu.memory_space<hbm>> -> memref<24000x128xf32, #tpu.memory_space<hbm>>
        tpu.enqueue_indirect_dma source(%dma_start3A_326 : memref<24000x128xf32, #tpu.memory_space<hbm>>) target(%dma_start3A_322 : memref<128x128xf32, #tpu.memory_space<vmem>>) offsets(%dma_start3A_323 : memref<128xi32, #tpu.memory_space<vmem>>) semaphore(%arg8 : memref<!tpu.dma_semaphore, #tpu.memory_space<semaphore_mem>>)
      } else {
      }
    }
    %scan3A_46 = arith.constant 8 : i32
    %dma_wait3A = arith.constant 0 : i32
    %dma_wait3A_47 = arith.constant 0 : i32
    %dma_wait3A_48 = arith.constant 0 : i32
    %dma_wait3A_49 = tpu.memref_slice %arg6[%dma_wait3A, %dma_wait3A_47, %dma_wait3A_48] : memref<3x256x128xf32, #tpu.memory_space<vmem>> -> memref<1x128x128xf32, #tpu.memory_space<vmem>>
    %dma_wait3A_50 = tpu.memref_squeeze %dma_wait3A_49 : memref<1x128x128xf32, #tpu.memory_space<vmem>> -> memref<128x128xf32, #tpu.memory_space<vmem>>
    %dma_wait3A_51 = arith.constant 6144 : i32
    %dma_wait3A_52 = tpu.memref_slice %arg5[%dma_wait3A_51] : memref<6400xi32, #tpu.memory_space<vmem>> -> memref<128xi32, #tpu.memory_space<vmem>>
    %dma_wait3A_53 = arith.constant 0 : i32
    %dma_wait3A_54 = arith.constant 0 : i32
    %dma_wait3A_55 = tpu.memref_slice %arg3[%dma_wait3A_53, %dma_wait3A_54] : memref<24000x128xf32, #tpu.memory_space<hbm>> -> memref<24000x128xf32, #tpu.memory_space<hbm>>
    tpu.wait_indirect_dma semaphore(%arg7 : memref<!tpu.dma_semaphore, #tpu.memory_space<semaphore_mem>>) src(%dma_wait3A_55 : memref<24000x128xf32, #tpu.memory_space<hbm>>) dst(%dma_wait3A_50 : memref<128x128xf32, #tpu.memory_space<vmem>>)
    %dma_wait3A_56 = arith.constant 0 : i32
    %dma_wait3A_57 = arith.constant 128 : i32
    %dma_wait3A_58 = arith.constant 0 : i32
    %dma_wait3A_59 = tpu.memref_slice %arg6[%dma_wait3A_56, %dma_wait3A_57, %dma_wait3A_58] : memref<3x256x128xf32, #tpu.memory_space<vmem>> -> memref<1x128x128xf32, #tpu.memory_space<vmem>>
    %dma_wait3A_60 = tpu.memref_squeeze %dma_wait3A_59 : memref<1x128x128xf32, #tpu.memory_space<vmem>> -> memref<128x128xf32, #tpu.memory_space<vmem>>
    %dma_wait3A_61 = arith.constant 6272 : i32
    %dma_wait3A_62 = tpu.memref_slice %arg5[%dma_wait3A_61] : memref<6400xi32, #tpu.memory_space<vmem>> -> memref<128xi32, #tpu.memory_space<vmem>>
    %dma_wait3A_63 = arith.constant 0 : i32
    %dma_wait3A_64 = arith.constant 0 : i32
    %dma_wait3A_65 = tpu.memref_slice %arg3[%dma_wait3A_63, %dma_wait3A_64] : memref<24000x128xf32, #tpu.memory_space<hbm>> -> memref<24000x128xf32, #tpu.memory_space<hbm>>
    tpu.wait_indirect_dma semaphore(%arg7 : memref<!tpu.dma_semaphore, #tpu.memory_space<semaphore_mem>>) src(%dma_wait3A_65 : memref<24000x128xf32, #tpu.memory_space<hbm>>) dst(%dma_wait3A_60 : memref<128x128xf32, #tpu.memory_space<vmem>>)
    %add3A_66 = arith.constant 6144 : i32
    %add3A_67 = arith.addi %mul3A_2, %add3A_66 : i32
    %dma_start3A_68 = arith.constant 0 : i32
    %dma_start3A_69 = arith.constant 0 : i32
    %dma_start3A_70 = arith.constant 0 : i32
    %dma_start3A_71 = tpu.memref_slice %arg6[%dma_start3A_68, %dma_start3A_69, %dma_start3A_70] : memref<3x256x128xf32, #tpu.memory_space<vmem>> -> memref<1x256x128xf32, #tpu.memory_space<vmem>>
    %dma_start3A_72 = tpu.memref_squeeze %dma_start3A_71 : memref<1x256x128xf32, #tpu.memory_space<vmem>> -> memref<256x128xf32, #tpu.memory_space<vmem>>
    %dma_start3A_73 = arith.constant 0 : i32
    %dma_start3A_74 = tpu.memref_slice %arg4[%add3A_67, %dma_start3A_73] : memref<204800x128xf32, #tpu.memory_space<hbm>> -> memref<256x128xf32, #tpu.memory_space<hbm>>
    %dma_start3A_75 = arith.constant 0 : i32
    %dma_start3A_76 = tpu.memref_slice %arg4[%add3A_67, %dma_start3A_75] : memref<204800x128xf32, #tpu.memory_space<hbm>> -> memref<256x128xf32, #tpu.memory_space<hbm>>
    %dma_start3A_77 = arith.constant 0 : i32
    %dma_start3A_78 = arith.constant 0 : i32
    %dma_start3A_79 = tpu.memref_slice %arg6[%dma_start3A_68, %dma_start3A_77, %dma_start3A_78] : memref<3x256x128xf32, #tpu.memory_space<vmem>> -> memref<1x256x128xf32, #tpu.memory_space<vmem>>
    %dma_start3A_80 = tpu.memref_squeeze %dma_start3A_79 : memref<1x256x128xf32, #tpu.memory_space<vmem>> -> memref<256x128xf32, #tpu.memory_space<vmem>>
    tpu.enqueue_dma source(%dma_start3A_80 : memref<256x128xf32, #tpu.memory_space<vmem>>) target(%dma_start3A_76 : memref<256x128xf32, #tpu.memory_space<hbm>>) target_semaphore(%arg10 : memref<!tpu.dma_semaphore, #tpu.memory_space<semaphore_mem>>)
    %add3A_81 = arith.constant 5632 : i32
    %add3A_82 = arith.addi %mul3A_2, %add3A_81 : i32
    %dma_wait3A_83 = arith.constant 1 : i32
    %dma_wait3A_84 = arith.constant 0 : i32
    %dma_wait3A_85 = arith.constant 0 : i32
    %dma_wait3A_86 = tpu.memref_slice %arg6[%dma_wait3A_83, %dma_wait3A_84, %dma_wait3A_85] : memref<3x256x128xf32, #tpu.memory_space<vmem>> -> memref<1x256x128xf32, #tpu.memory_space<vmem>>
    %dma_wait3A_87 = tpu.memref_squeeze %dma_wait3A_86 : memref<1x256x128xf32, #tpu.memory_space<vmem>> -> memref<256x128xf32, #tpu.memory_space<vmem>>
    %dma_wait3A_88 = arith.constant 0 : i32
    %dma_wait3A_89 = tpu.memref_slice %arg4[%add3A_82, %dma_wait3A_88] : memref<204800x128xf32, #tpu.memory_space<hbm>> -> memref<256x128xf32, #tpu.memory_space<hbm>>
    %dma_wait3A_90 = arith.constant 0 : i32
    %dma_wait3A_91 = tpu.memref_slice %arg4[%add3A_82, %dma_wait3A_90] : memref<204800x128xf32, #tpu.memory_space<hbm>> -> memref<256x128xf32, #tpu.memory_space<hbm>>
    %dma_wait3A_92 = arith.constant 0 : i32
    %dma_wait3A_93 = arith.constant 0 : i32
    %dma_wait3A_94 = tpu.memref_slice %arg6[%dma_wait3A_83, %dma_wait3A_92, %dma_wait3A_93] : memref<3x256x128xf32, #tpu.memory_space<vmem>> -> memref<1x256x128xf32, #tpu.memory_space<vmem>>
    %dma_wait3A_95 = tpu.memref_squeeze %dma_wait3A_94 : memref<1x256x128xf32, #tpu.memory_space<vmem>> -> memref<256x128xf32, #tpu.memory_space<vmem>>
    tpu.wait_dma2 semaphore(%arg11 : memref<!tpu.dma_semaphore, #tpu.memory_space<semaphore_mem>>) src(%dma_wait3A_95 : memref<256x128xf32, #tpu.memory_space<vmem>>) dst(%dma_wait3A_91 : memref<256x128xf32, #tpu.memory_space<hbm>>)
    %add3A_96 = arith.constant 5888 : i32
    %add3A_97 = arith.addi %mul3A_2, %add3A_96 : i32
    %dma_wait3A_98 = arith.constant 2 : i32
    %dma_wait3A_99 = arith.constant 0 : i32
    %dma_wait3A_100 = arith.constant 0 : i32
    %dma_wait3A_101 = tpu.memref_slice %arg6[%dma_wait3A_98, %dma_wait3A_99, %dma_wait3A_100] : memref<3x256x128xf32, #tpu.memory_space<vmem>> -> memref<1x256x128xf32, #tpu.memory_space<vmem>>
    %dma_wait3A_102 = tpu.memref_squeeze %dma_wait3A_101 : memref<1x256x128xf32, #tpu.memory_space<vmem>> -> memref<256x128xf32, #tpu.memory_space<vmem>>
    %dma_wait3A_103 = arith.constant 0 : i32
    %dma_wait3A_104 = tpu.memref_slice %arg4[%add3A_97, %dma_wait3A_103] : memref<204800x128xf32, #tpu.memory_space<hbm>> -> memref<256x128xf32, #tpu.memory_space<hbm>>
    %dma_wait3A_105 = arith.constant 0 : i32
    %dma_wait3A_106 = tpu.memref_slice %arg4[%add3A_97, %dma_wait3A_105] : memref<204800x128xf32, #tpu.memory_space<hbm>> -> memref<256x128xf32, #tpu.memory_space<hbm>>
    %dma_wait3A_107 = arith.constant 0 : i32
    %dma_wait3A_108 = arith.constant 0 : i32
    %dma_wait3A_109 = tpu.memref_slice %arg6[%dma_wait3A_98, %dma_wait3A_107, %dma_wait3A_108] : memref<3x256x128xf32, #tpu.memory_space<vmem>> -> memref<1x256x128xf32, #tpu.memory_space<vmem>>
    %dma_wait3A_110 = tpu.memref_squeeze %dma_wait3A_109 : memref<1x256x128xf32, #tpu.memory_space<vmem>> -> memref<256x128xf32, #tpu.memory_space<vmem>>
    tpu.wait_dma2 semaphore(%arg12 : memref<!tpu.dma_semaphore, #tpu.memory_space<semaphore_mem>>) src(%dma_wait3A_110 : memref<256x128xf32, #tpu.memory_space<vmem>>) dst(%dma_wait3A_106 : memref<256x128xf32, #tpu.memory_space<hbm>>)
    %add3A_111 = arith.constant 6144 : i32
    %add3A_112 = arith.addi %mul3A_2, %add3A_111 : i32
    %dma_wait3A_113 = arith.constant 0 : i32
    %dma_wait3A_114 = arith.constant 0 : i32
    %dma_wait3A_115 = arith.constant 0 : i32
    %dma_wait3A_116 = tpu.memref_slice %arg6[%dma_wait3A_113, %dma_wait3A_114, %dma_wait3A_115] : memref<3x256x128xf32, #tpu.memory_space<vmem>> -> memref<1x256x128xf32, #tpu.memory_space<vmem>>
    %dma_wait3A_117 = tpu.memref_squeeze %dma_wait3A_116 : memref<1x256x128xf32, #tpu.memory_space<vmem>> -> memref<256x128xf32, #tpu.memory_space<vmem>>
    %dma_wait3A_118 = arith.constant 0 : i32
    %dma_wait3A_119 = tpu.memref_slice %arg4[%add3A_112, %dma_wait3A_118] : memref<204800x128xf32, #tpu.memory_space<hbm>> -> memref<256x128xf32, #tpu.memory_space<hbm>>
    %dma_wait3A_120 = arith.constant 0 : i32
    %dma_wait3A_121 = tpu.memref_slice %arg4[%add3A_112, %dma_wait3A_120] : memref<204800x128xf32, #tpu.memory_space<hbm>> -> memref<256x128xf32, #tpu.memory_space<hbm>>
    %dma_wait3A_122 = arith.constant 0 : i32
    %dma_wait3A_123 = arith.constant 0 : i32
    %dma_wait3A_124 = tpu.memref_slice %arg6[%dma_wait3A_113, %dma_wait3A_122, %dma_wait3A_123] : memref<3x256x128xf32, #tpu.memory_space<vmem>> -> memref<1x256x128xf32, #tpu.memory_space<vmem>>
    %dma_wait3A_125 = tpu.memref_squeeze %dma_wait3A_124 : memref<1x256x128xf32, #tpu.memory_space<vmem>> -> memref<256x128xf32, #tpu.memory_space<vmem>>
    tpu.wait_dma2 semaphore(%arg10 : memref<!tpu.dma_semaphore, #tpu.memory_space<semaphore_mem>>) src(%dma_wait3A_125 : memref<256x128xf32, #tpu.memory_space<vmem>>) dst(%dma_wait3A_121 : memref<256x128xf32, #tpu.memory_space<hbm>>)
    return
  }
}

module attributes {stable_mosaic.version = 14 : i64} {
  func.func @_build_comb_kernel(%arg0: i32, %arg1: memref<200x128xf32, #tpu.memory_space<vmem>>, %arg2: memref<24x128xf32, #tpu.memory_space<vmem>>, %arg3: memref<32x1280xi32, #tpu.memory_space<vmem>>, %arg4: memref<32x1280xi32, #tpu.memory_space<vmem>>, %arg5: memref<200x24x128xf32, #tpu.memory_space<vmem>>, %arg6: memref<32x1280xi32, #tpu.memory_space<vmem>>) attributes {dimension_semantics = [#tpu.dimension_semantics<arbitrary>], iteration_bounds = array<i64: 5>, scalar_prefetch = 0 : i64, scratch_operands = 0 : i64, tpu.core_type = #tpu.core_type<tc>, window_params = [{transform_indices = @transform_0, window_bounds = array<i64: 200, 128>}, {pipeline_mode = #tpu.pipeline_mode<synchronous>, transform_indices = @transform_1, window_bounds = array<i64: 24, 128>}, {transform_indices = @transform_2, window_bounds = array<i64: 32, 1280>}, {transform_indices = @transform_3, window_bounds = array<i64: 32, 1280>}, {transform_indices = @transform_4, window_bounds = array<i64: 200, 24, 128>}, {transform_indices = @transform_5, window_bounds = array<i64: 32, 1280>}]} {
    %get3A = arith.constant 0 : index
    %get3A_0 = arith.constant 0 : index
    %get3A_1 = vector.load %arg1[%get3A, %get3A_0] : memref<200x128xf32, #tpu.memory_space<vmem>>, vector<200x128xf32>
    %broadcast_in_dim3A = vector.shape_cast %get3A_1 : vector<200x128xf32> to vector<200x1x128xf32>
    %get3A_2 = arith.constant 0 : index
    %get3A_3 = arith.constant 0 : index
    %get3A_4 = vector.load %arg2[%get3A_2, %get3A_3] : memref<24x128xf32, #tpu.memory_space<vmem>>, vector<24x128xf32>
    %broadcast_in_dim3A_5 = vector.shape_cast %get3A_4 : vector<24x128xf32> to vector<1x24x128xf32>
    %add3A = vector.broadcast %broadcast_in_dim3A : vector<200x1x128xf32> to vector<200x24x128xf32>
    %add3A_6 = vector.broadcast %broadcast_in_dim3A_5 : vector<1x24x128xf32> to vector<200x24x128xf32>
    %add3A_7 = arith.addf %add3A, %add3A_6 : vector<200x24x128xf32>
    %swap3A = arith.constant 0 : index
    %swap3A_8 = arith.constant 0 : index
    %swap3A_9 = arith.constant 0 : index
    %swap3A_10 = vector.load %arg5[%swap3A, %swap3A_8, %swap3A_9] : memref<200x24x128xf32, #tpu.memory_space<vmem>>, vector<200x24x128xf32>
    tpu.vector_store %arg5[%swap3A, %swap3A_8, %swap3A_9], %add3A_7 {strides = array<i32>} : memref<200x24x128xf32, #tpu.memory_space<vmem>>, vector<200x24x128xf32>,
    %get3A_11 = arith.constant 0 : index
    %get3A_12 = arith.constant 0 : index
    %get3A_13 = vector.load %arg3[%get3A_11, %get3A_12] : memref<32x1280xi32, #tpu.memory_space<vmem>>, vector<32x1280xi32>
    %mul3A = arith.constant 24 : i32
    %mul3A_14 = vector.broadcast %mul3A : i32 to vector<32x1280xi32>
    %mul3A_15 = arith.muli %get3A_13, %mul3A_14 : vector<32x1280xi32>
    %get3A_16 = arith.constant 0 : index
    %get3A_17 = arith.constant 0 : index
    %get3A_18 = vector.load %arg4[%get3A_16, %get3A_17] : memref<32x1280xi32, #tpu.memory_space<vmem>>, vector<32x1280xi32>
    %add3A_19 = arith.addi %mul3A_15, %get3A_18 : vector<32x1280xi32>
    %swap3A_20 = arith.constant 0 : index
    %swap3A_21 = arith.constant 0 : index
    %swap3A_22 = vector.load %arg6[%swap3A_20, %swap3A_21] : memref<32x1280xi32, #tpu.memory_space<vmem>>, vector<32x1280xi32>
    tpu.vector_store %arg6[%swap3A_20, %swap3A_21], %add3A_19 {strides = array<i32>} : memref<32x1280xi32, #tpu.memory_space<vmem>>, vector<32x1280xi32>,
    return
  }
  func.func @transform_0(%arg0: i32) -> (i32, i32) {
    %c0_i32 = arith.constant 0 : i32
    %c0_i32_0 = arith.constant 0 : i32
    return %arg0, %c0_i32 : i32, i32
  }
  func.func @transform_1(%arg0: i32) -> (i32, i32) {
    %c0_i32 = arith.constant 0 : i32
    %c0_i32_0 = arith.constant 0 : i32
    %c0_i32_1 = arith.constant 0 : i32
    return %c0_i32, %c0_i32_0 : i32, i32
  }
  func.func @transform_2(%arg0: i32) -> (i32, i32) {
    %c0_i32 = arith.constant 0 : i32
    %c0_i32_0 = arith.constant 0 : i32
    return %c0_i32, %arg0 : i32, i32
  }
  func.func @transform_3(%arg0: i32) -> (i32, i32) {
    %c0_i32 = arith.constant 0 : i32
    %c0_i32_0 = arith.constant 0 : i32
    return %c0_i32, %arg0 : i32, i32
  }
  func.func @transform_4(%arg0: i32) -> (i32, i32, i32) {
    %c0_i32 = arith.constant 0 : i32
    %c0_i32_0 = arith.constant 0 : i32
    %c0_i32_1 = arith.constant 0 : i32
    return %arg0, %c0_i32, %c0_i32_0 : i32, i32, i32
  }
  func.func @transform_5(%arg0: i32) -> (i32, i32) {
    %c0_i32 = arith.constant 0 : i32
    %c0_i32_0 = arith.constant 0 : i32
    return %c0_i32, %arg0 : i32, i32
  }
}

</mosaic_0001>

<sc_bundles>
// kernel: kernel.4.cloned.1.call-start
scs
__scs_entry_jumppad:
0x0: {  	(pc) =	sbr.rel $0x88, $3  }
0x1: {  	(tag) =	ssettag $0x0;
	lr =	simm.s32 $0x1  }
0x2: {  	[smem:$0x3F9D] =	sst lr;
	_ =	strace $0xD0000000  }
0x3: {  	_ = 	snop  }
0x4: {  	_ = 	snop  }
0x5: {  	_ = 	snop  }
0x6: {  	_ = 	snop  }
0x7: {  	_ = 	snop  }
__scs_overlays_trampoline_lowered:
0x8: {  	[smem:$0x3FAC] =	sst s0  }
0x9: {  	[smem:$0x3FAD] =	sst s1  }
0xa: {  	[smem:$0x3FAE] =	sst s2  }
0xb: {  	[smem:$0x3FAF] =	sst s3  }
0xc: {  	[smem:$0x3FB0] =	sst s4  }
0xd: {  	[smem:$0x3FB1] =	sst s5  }
0xe: {  	[smem:$0x3FB2] =	sst s6  }
0xf: {  	[smem:$0x3FB3] =	sst s7  }
0x10: {  	[smem:$0x3FB4] =	sst s8  }
0x11: {  	[smem:$0x3FB5] =	sst s9;
	s0 =	simm.s32 @!p0 $0x0  }
0x12: {  	s1 =	sld [smem:$0x3F9B];
	s0 =	simm.s32 @p0 $0x1  }
0x13: {  	[smem:$0x3FB6] =	sst s0;
	s0 =	simm.s32 @!p1 $0x0  }
0x14: {  	s2 =	sld [smem:$0x3F9A];
	s0 =	simm.s32 @p1 $0x1  }
0x15: {  	[smem:$0x3FB7] =	sst s0;
	s0 =	simm.s32 @!p2 $0x0  }
0x16: {  	s3 =	sld [smem:$0x3FDB];
	s0 =	simm.s32 @p2 $0x1  }
0x17: {  	s4 =	simm.s32 $0x1BF5;
	[smem:$0x3FB9] =	sst s0  }
0x18: {  	s0 =	sld [smem:$0x3F9C];
	_ =	swait.ge [sflag:s4], $0x0  }
0x19: {  	s7 =	sld [smem:$0x3F9D]  }
0x1a: {  	s8 =	sadd.s32 $0xFFFFE003, lr  }
0x1b: {  	s9 =	sadd.s32 $0xFFFFFEF7, lr;
	s5 =	simm.s32 $0xFFFFFFFF;
	p2 =	slt.u32 s8, $0xFFFFF086  }
0x1c: {  	p1 =	slt.u32 s9, $0xF7A;
	s5 =	simm.s32 @!p2 $0x0  }
0x1d: {  	s5 =	simm.s32 @p1 $0x1;
	p0 =	seq.s32 s7, s2  }
0x1e: {  	s7 =	smul.u32 @!p0 $0xF7A, s2;
	p2 =	seq.s32 @!p0 s5, $0x0  }
0x1f: {  	s9 =	smul.u32 $0xF7A, s1;
	s8 =	simm.s32 @!p0 $0x1BF5;
	p2 =	por !p2, p0  }
0x20: {  	[sflag:s8] =	ssyncset.s32 @!p0 $0xFFFFF086;
	s6 =	sadd.s32 @!p0 s3, s7;
	s7 =	simm.s32 @!p0 $0x108  }
0x21: {  	s3 =	sadd.s32 s3, s9;
	s6 =	sadd.s32 @!p0 $0x88, s6;
	s7 =	simm.s32 @p2 $0x1082  }
0x22: {  	[simem:s7], [sflag:s8] =	dma.local @!p0 [hbm:s6], $0xF7A  }
0x23: {  	s9 =	sor.u32 $0xD0000000, s2;
	s6 =	simm.s32 $0x108;
	_ =	swait.ge @!p0 [sflag:s8], $0x0  }
0x24: {  	s3 =	sadd.s32 $0x88, s3;
	s6 =	simm.s32 @!p1 $0x1082;
	[sflag:s4] =	ssyncset.s32 $0xFFFFF086  }
0x25: {  	[simem:s6], [sflag:s4] =	dma.local [hbm:s3], $0xF7A  }
0x26: {  	[smem:$0x3F9D] =	sst s1;
	(tag) =	ssettag s2;
	_ =	strace s9  }
0x27: {  	s1 =	sld [smem:$0x3FAD]  }
0x28: {  	s2 =	sld [smem:$0x3FAE]  }
0x29: {  	s4 =	sld [smem:$0x3FB0]  }
0x2a: {  	p0 =	seq.s32 s5, $0x0;
	s5 =	sld [smem:$0x3FB1]  }
0x2b: {  	s6 =	sld [smem:$0x3FB2]  }
0x2c: {  	s7 =	sld [smem:$0x3FB3]  }
0x2d: {  	s3 =	simm.s32 $0x108;
	s8 =	sld [smem:$0x3FB4]  }
0x2e: {  	s3 =	simm.s32 @!p0 $0x1082;
	s9 =	sld [smem:$0x3FB5]  }
0x2f: {  	lr =	sadd.s32 s0, s3;
	s0 =	sld [smem:$0x3FAC]  }
0x30: {  	s3 =	sld [smem:$0x3FAF]  }
0x31: {  	[smem:$0x3FB8] =	sst s10  }
0x32: {  	s10 =	sld [smem:$0x3FB6];
	_ =	sdelay $0x3  }
0x33: {  	p0 =	seq.s32 s10, $0x1;
	s10 =	sld [smem:$0x3FB8];
	_ =	sdelay $0x3  }
0x34: {  	[smem:$0x3FB8] =	sst s10  }
0x35: {  	s10 =	sld [smem:$0x3FB7];
	_ =	sdelay $0x3  }
0x36: {  	p1 =	seq.s32 s10, $0x1;
	s10 =	sld [smem:$0x3FB8];
	_ =	sdelay $0x3  }
0x37: {  	[smem:$0x3FB8] =	sst s10  }
0x38: {  	s10 =	sld [smem:$0x3FB9]  }
0x39: {  	_ = 	snop;
	(pc) =	sbr.ind lr, $3  }
0x3a: {  	_ = 	snop  }
0x3b: {  	_ = 	snop  }
0x3c: {  	p2 =	seq.s32 s10, $0x1;
	s10 =	sld [smem:$0x3FB8]  }
0x3d: {  	_ =	shalt  }
0x3e: {  	_ =	shalt  }
0x3f: {  	_ =	shalt  }
0x40: {  	_ =	shalt  }
0x41: {  	_ =	shalt  }
0x42: {  	_ =	shalt  }
0x43: {  	_ =	shalt  }
0x44: {  	_ =	shalt  }
0x45: {  	_ =	shalt  }
0x46: {  	_ =	shalt  }
0x47: {  	_ =	shalt  }
0x48: {  	_ =	shalt  }
0x49: {  	_ =	shalt  }
0x4a: {  	_ =	shalt  }
0x4b: {  	_ =	shalt  }
0x4c: {  	_ =	shalt  }
0x4d: {  	_ =	shalt  }
0x4e: {  	_ =	shalt  }
0x4f: {  	_ =	shalt  }
0x50: {  	_ =	shalt  }
0x51: {  	_ =	shalt  }
0x52: {  	_ =	shalt  }
0x53: {  	_ =	shalt  }
0x54: {  	_ =	shalt  }
0x55: {  	_ =	shalt  }
0x56: {  	_ =	shalt  }
0x57: {  	_ =	shalt  }
0x58: {  	_ =	shalt  }
0x59: {  	_ =	shalt  }
0x5a: {  	_ =	shalt  }
0x5b: {  	_ =	shalt  }
0x5c: {  	_ =	shalt  }
0x5d: {  	_ =	shalt  }
0x5e: {  	_ =	shalt  }
0x5f: {  	_ =	shalt  }
0x60: {  	_ =	shalt  }
0x61: {  	_ =	shalt  }
0x62: {  	_ =	shalt  }
0x63: {  	_ =	shalt  }
0x64: {  	_ =	shalt  }
0x65: {  	_ =	shalt  }
0x66: {  	_ =	shalt  }
0x67: {  	_ =	shalt  }
0x68: {  	_ =	shalt  }
0x69: {  	_ =	shalt  }
0x6a: {  	_ =	shalt  }
0x6b: {  	_ =	shalt  }
0x6c: {  	_ =	shalt  }
0x6d: {  	_ =	shalt  }
0x6e: {  	_ =	shalt  }
0x6f: {  	_ =	shalt  }
0x70: {  	_ =	shalt  }
0x71: {  	_ =	shalt  }
0x72: {  	_ =	shalt  }
0x73: {  	_ =	shalt  }
0x74: {  	_ =	shalt  }
0x75: {  	_ =	shalt  }
0x76: {  	_ =	shalt  }
0x77: {  	_ =	shalt  }
0x78: {  	_ =	shalt  }
0x79: {  	_ =	shalt  }
0x7a: {  	_ =	shalt  }
0x7b: {  	_ =	shalt  }
0x7c: {  	_ =	shalt  }
0x7d: {  	_ =	shalt  }
0x7e: {  	_ =	shalt  }
0x7f: {  	_ =	shalt  }
0x80: {  	_ =	shalt  }
0x81: {  	_ =	shalt  }
0x82: {  	_ =	shalt  }
0x83: {  	_ =	shalt  }
0x84: {  	_ =	shalt  }
0x85: {  	_ =	shalt  }
0x86: {  	_ =	shalt  }
0x87: {  	_ =	shalt  }
.Lfunc_end0:
.L_simem_size_0:
called_computation_lowered:
.L_overlay_start_0:
0x88: {  	s2 =	sld [smem:$0x3FD9]  }
0x89: {  	s3 =	sld [smem:$0x3FFE];
	_ =	sdelay $0x1  }
0x8a: {  	s1 =	srdreg.scid  }
0x8b: {  	s0 =	sand.u32 $0x1, s1  }
0x8c: {  	s17 =	sshll.u32 s0, $0xA;
	s2 =	sadd.s32 s3, s2  }
0x8d: {  	s2 =	sadd.s32 s2, s17  }
0x8e: {  	[smem:$0x3FC4] =	sst s2  }
0x8f: {  	_ = 	snop  }
0x90: {  	s2 =	sld [smem:$0x3FD0];
	(tm) =	ssettm $0x1  }
0x91: {  	s18 =	sld [smem:$0x3FFB];
	_ =	sdelay $0x3  }
0x92: {  	_ =	strace s18  }
0x93: {  	s3 =	sld [smem:$0x3FFC];
	_ =	sdelay $0x3  }
0x94: {  	_ =	strace s3  }
0x95: {  	s3 =	sld [smem:$0x3FFD];
	_ =	sdelay $0x3  }
0x96: {  	_ =	strace s3  }
0x97: {  	_ =	strace $0x8FFFFFFF  }
0x98: {  	s19 =	sld [smem:$0x3FDB];
	_ =	sdelay $0x1  }
0x99: {  	s4 =	simm.s32 $_scs_section_size  }
0x9a: {  	s5 =	simm.s32 $_size__tile_overlayer_lowered;
	s6 =	simm.s32 $_tile_overlayer_lowered  }
0x9b: {  	s22 =	simm.s32 $0x1BFF;
	s21 =	sshll.u32 s6, $0x1;
	s3 =	sadd.s32 s4, s19  }
0x9c: {  	s7 =	simm.s32 $0x0;
	s20 =	sshll.u32 s5, $0x1;
	s5 =	sadd.s32 s21, s3  }
0x9d: {  	[timem:s7], [sflag:s22] =	dma.local [hbm:s5], s20  }
0x9e: {  	_ =	swait.ge [sflag:s22], s20  }
0x9f: {  	s4 =	ssub.s32 $0x0, s20;
	[sflag:s22] =	ssyncset.done $0x0  }
0xa0: {  	[sflag:s22] =	ssyncadd.s32 s4;
	_ =	sdelay $0x1  }
0xa1: {  	s23 =	simm.s32 $0x1B8B  }
0xa2: {  	_ =	swait.ge [sflag:s23], $0x1  }
0xa3: {  	[sflag:s23] =	ssyncset.done $0x0  }
0xa4: {  	s25 =	simm.s32 $0x1B8E;
	s24 =	sld [smem:$0x3FFE];
	[sflag:s23] =	ssyncadd.s32 $0xFFFFFFFF  }
0xa5: {  	s26 =	simm.s32 $execute0_lowered;
	[smem:$0x3FD2] =	sst s25  }
0xa6: {  	s5 =	sshll.u32 s26, $0x1;
	_ =	strace $0x80000046;
	[dreg:$0x1] =	wrdreg $0xFFFFFFFF  }
0xa7: {  	s28 =	simm.s32 $_size_execute0_lowered;
	s3 =	sadd.s32 s3, s5;
	[dreg:$0x0] =	wrdreg $0x0  }
0xa8: {  	s5 =	sshll.u32 s28, $0x1;
	[dreg:$0x2] =	wrdreg s3  }
0xa9: {  	[dreg:$0x3] =	wrdreg s5  }
0xaa: {  	[dreg:$0x4] =	wrdreg $0xC0  }
0xab: {  	_ =	task [dreg:s7], $0x5FFFF  }
0xac: {  	[dreg:$0x1] =	wrdreg $0xFFFFFFFF  }
0xad: {  	[dreg:$0x0] =	wrdreg $0x60  }
0xae: {  	[dreg:$0x2] =	wrdreg s24  }
0xaf: {  	[dreg:$0x3] =	wrdreg s2  }
0xb0: {  	[dreg:$0x4] =	wrdreg $0x9  }
0xb1: {  	_ =	task.clear_ibuf [dreg:s7], $0x5FFFF;
	_ =	strace $0x90000046  }
0xb2: {  	s29 =	simm.s32 $0x9;
	_ =	strace $0x80000048  }
0xb3: {  	_ =	swait.ge [sflag:s29], $0x1  }
0xb4: {  	[sflag:s29] =	ssyncadd.s32 $0xFFFFFFFF  }
0xb5: {  	_ =	strace $0x90000048  }
0xb6: {  	_ =	sfence  }
0xb7: {  	s30 =	sld [smem:$0x0];
	_ =	sdelay $0x2  }
0xb8: {  	s31 =	sshll.u32 s1, $0xD;
	s1 =	sshrl.u32 s1, $0x2  }
0xb9: {  	s3 =	sand.u32 $0x4000, s31;
	s1 =	sadd.s32 s1, s30  }
0xba: {  	s0 =	sor.u32 s3, s0;
	s1 =	sshll.u32 s1, $0x11  }
0xbb: {  	s0 =	sor.u32 s1, s0  }
0xbc: {  	s0 =	sadd.s32 $0x8F2B, s0  }
0xbd: {  	[sflag:s0] =	ssyncadd.remote.s32 $0x1  }
0xbe: {  	_ =	sfence.sel $0xFFFF  }
0xbf: {  	[dreg:$0x0] =	wrdreg $0xFFFFFFFF;
	(pc) =	sbr.abs _section_cstart, $3  }
0xc0: {  	[dreg:$0x1] =	wrdreg $0xFFFFFFFF  }
0xc1: {  	_ =	task.clear_ibuf [dreg:s7], $0x2FFFF;
	_ =	strace $0x9FFFFFFF  }
0xc2: {  	(tm) =	ssettm $0x7FFFFFFF  }
0xc3: {  	_ =	shalt  }
tec
execute0_lowered:
.L_overlay_start_1:
0x0: {  	(tag) =	ssettag $0x1  }
0x1: {  	s0 =	srdreg.scid;
	s3 =	rddreg [dreg:$0x0]  }
0x2: {  	s12 =	stileid.u32;
	s4 =	rddreg [dreg:$0x1]  }
0x3: {  	s13 =	simm.s32 $0x80;
	s14 =	simm.s32 $0x400;
	s15 =	simm.s32 $0x7  }
0x4: {  	s16 =	simm.s32 $0x1900;
	s17 =	simm.s32 $0x5900;
	s19 =	simm.s32 $0x9900  }
0x5: {  	s21 =	simm.s32 $0xD900;
	s28 =	simm.s32 $0x2;
	s10 =	smul.u32 $0x190000, s12  }
0x6: {  	s29 =	simm.s32 $0x4;
	s2 =	sshrl.u32 s12, $0x2;
	s24 =	smul.u32 $0x32000, s12  }
0x7: {  	s0 =	sand.u32 $0x1, s0;
	s1 =	sshll.u32 s12, $0x1;
	s5 =	smul.u32 $0xC800, s2  }
0x8: {  	s20 =	simm.s32 $0x6;
	s1 =	sor.u32 s0, s1;
	s11 =	smul.u32 $0xC8000, s0  }
0x9: {  	s2 =	simm.s32 $0x0;
	s7 =	ssub.s32 $0x2, s0;
	s0 =	smul.u32 $0x19000, s0  }
0xa: {  	s6 =	sshll.u32 s1, $0x7;
	[smem:$0x7FF] =	sst s2;
	s22 =	smul.u32 $0xC8000, s1  }
0xb: {  	s8 =	sshrl.u32 s7, $0x1;
	s1 =	smul.u32 $0x19000, s1;
	s6 =	sand.u32 $0x380, s6  }
0xc: {  	_ =	strace $0x80000047;
	s7 =	ssub.s32 s7, s8;
	s10 =	sadd.s32 s11, s10  }
0xd: {  	s5 =	sor.u32 s5, s6;
	s6 =	sshrl.u32 s22, $0x3;
	s11 =	sadd.s32 $0x28000, s10  }
0xe: {  	s10 =	sadd.s32 $0x20000, s10;
	s22 =	simm.s32 $0x1;
	s5 =	sshrl.u32 s5, $0x3  }
0xf: {  	s9 =	sadd.s32 s4, s6;
	s6 =	smax.u32 s7, $0x1;
	s7 =	sadd.s32 s4, s1  }
0x10: {  	s1 =	sadd.s32 s24, s4;
	s25 =	sshrl.u32 s11, $0x3;
	s26 =	sshrl.u32 s10, $0x3  }
0x11: {  	s24 =	simm.s32 $0x11900;
	s5 =	sadd.s32 s5, s3;
	s3 =	sadd.s32 $0xC00, s3  }
.Ltmp0:
0x12: {  	s23 =	sadd.s32 $0x18000, s9;
	s8 =	sadd.s32 $0x1000, s9;
	(pc) =	sbr.rel .LBB2_1-.Ltmp0, $4  }
0x13: {  	s9 =	sadd.s32 $0x2000, s9;
	s0 =	sadd.s32 s0, s1;
	s31 =	sadd.s32 s25, s4  }
0x14: {  	s30 =	sadd.s32 s26, s4;
	s26 =	simm.s32 $0x15900;
	s1 =	simm.s32 $0x3  }
0x15: {  	s5 =	sadd.s32 $0x5E800, s5;
	[dreg:$0x4] =	wrdreg s23;
	s18 =	sadd.s32 $0x3000, s0  }
0x16: {  	s0 =	simm.s32 $0x5;
	s23 =	simm.s32 $0x0;
	[dreg:$0x3] =	wrdreg s5  }
.LBB2_4:
0x17: {  	_ =	swait.ge [sflag:s22], $0x4000  }
0x18: {  	[sflag:s22] =	ssyncset.done $0x0  }
0x19: {  	[sflag:s22] =	ssyncadd.s32 $0xFFFFC000  }
0x1a: {  	_ =	swait.ge [sflag:s22], $0x4000  }
0x1b: {  	[sflag:s22] =	ssyncset.done $0x0  }
0x1c: {  	s4 =	rddreg [dreg:$0x4];
	[sflag:s22] =	ssyncadd.s32 $0xFFFFC000  }
0x1d: {  	[hbm4b:s4+s2] =	stream.linear.scatter [tilespmem:s16], [sflag:$0x4], $0x8000, $0x38;
	[tilespmem:$0x19900] =	vst v63  }
0x1e: {  	_ =	swait.ge [sflag:s0], $0x8000  }
0x1f: {  	[sflag:s0] =	ssyncset.done $0x0  }
0x20: {  	s23 =	sadd.s32 $0x1, s23;
	[sflag:s0] =	ssyncadd.s32 $0xFFFF8000  }
0x21: {  	p0 =	sne.s32 s23, s6;
	_ =	swait.ge [sflag:s20], $0x8000  }
.Ltmp1:
0x22: {  	[sflag:s20] =	ssyncset.done $0x0;
	(pc) =	sbr.rel @!p0 .LBB2_5-.Ltmp1, $4  }
0x23: {  	[sflag:s20] =	ssyncadd.s32 $0xFFFF8000  }
0x24: {  	_ =	swait.ge [sflag:s29], $0x8000  }
0x25: {  	[sflag:s29] =	ssyncset.done $0x0  }
0x26: {  	[sflag:s29] =	ssyncadd.s32 $0xFFFF8000  }
.LBB2_1:
0x27: {  	s4 =	rddreg [dreg:$0x3]  }
0x28: {  	[tilespmem:s2], [sflag:$0x7] =	stream.strided.gather [hbm4b:s4+s13], $0x1900, s14, s13, $0x38;
	[tilespmem:$0x19900] =	vst v63  }
0x29: {  	_ =	swait.ge [sflag:s15], $0x1900  }
0x2a: {  	[sflag:s15] =	ssyncset.done $0x0  }
0x2b: {  	[sflag:s15] =	ssyncadd.s32 $0xFFFFE700  }
0x2c: {  	[tilespmem:s16], [sflag:$0x1] =	stream.indirect.gather [hbm4b:s3+s13], $0x80, s2, s13, $0xb8;
	[tilespmem:$0x19900] =	vst v63  }
0x2d: {  	_ = 	snop  }
0x2e: {  	[tilespmem:s17], [sflag:$0x1] =	stream.indirect.gather [hbm4b:s3+s13], $0x80, s13, s13, $0xb8;
	[tilespmem:$0x19900] =	vst v63  }
0x2f: {  	s12 =	simm.s32 $0x100  }
0x30: {  	[tilespmem:s19], [sflag:$0x2] =	stream.indirect.gather [hbm4b:s3+s13], $0x80, s12, s13, $0xb8;
	[tilespmem:$0x19900] =	vst v63  }
0x31: {  	s25 =	simm.s32 $0x180  }
0x32: {  	[tilespmem:s21], [sflag:$0x2] =	stream.indirect.gather [hbm4b:s3+s13], $0x80, s25, s13, $0xb8;
	[tilespmem:$0x19900] =	vst v63  }
0x33: {  	_ =	swait.ge [sflag:s22], $0x4000  }
0x34: {  	[sflag:s22] =	ssyncset.done $0x0  }
0x35: {  	[sflag:s22] =	ssyncadd.s32 $0xFFFFC000  }
0x36: {  	_ =	swait.ge [sflag:s22], $0x4000  }
0x37: {  	[sflag:s22] =	ssyncset.done $0x0  }
0x38: {  	[sflag:s22] =	ssyncadd.s32 $0xFFFFC000  }
0x39: {  	[hbm4b:s7+s2] =	stream.linear.scatter [tilespmem:s16], [sflag:$0x4], $0x8000, $0x38;
	[tilespmem:$0x19900] =	vst v63  }
0x3a: {  	s5 =	simm.s32 $0x200  }
0x3b: {  	[tilespmem:s24], [sflag:$0x3] =	stream.indirect.gather [hbm4b:s3+s13], $0x80, s5, s13, $0xb8;
	[tilespmem:$0x19900] =	vst v63  }
0x3c: {  	s10 =	simm.s32 $0x280  }
0x3d: {  	[tilespmem:s26], [sflag:$0x3] =	stream.indirect.gather [hbm4b:s3+s13], $0x80, s10, s13, $0xb8;
	[tilespmem:$0x19900] =	vst v63  }
0x3e: {  	_ =	swait.ge [sflag:s28], $0x4000  }
0x3f: {  	[sflag:s28] =	ssyncset.done $0x0  }
0x40: {  	[sflag:s28] =	ssyncadd.s32 $0xFFFFC000  }
0x41: {  	_ =	swait.ge [sflag:s28], $0x4000  }
0x42: {  	[sflag:s28] =	ssyncset.done $0x0  }
0x43: {  	[sflag:s28] =	ssyncadd.s32 $0xFFFFC000  }
0x44: {  	[hbm4b:s8+s2] =	stream.linear.scatter [tilespmem:s19], [sflag:$0x5], $0x8000, $0x38;
	[tilespmem:$0x19900] =	vst v63  }
0x45: {  	_ =	swait.ge [sflag:s29], $0x8000  }
0x46: {  	[sflag:s29] =	ssyncset.done $0x0  }
0x47: {  	s11 =	simm.s32 $0x300;
	[sflag:s29] =	ssyncadd.s32 $0xFFFF8000  }
0x48: {  	[tilespmem:s16], [sflag:$0x1] =	stream.indirect.gather [hbm4b:s3+s13], $0x80, s11, s13, $0xb8;
	[tilespmem:$0x19900] =	vst v63  }
0x49: {  	s12 =	simm.s32 $0x380  }
0x4a: {  	[tilespmem:s17], [sflag:$0x1] =	stream.indirect.gather [hbm4b:s3+s13], $0x80, s12, s13, $0xb8;
	[tilespmem:$0x19900] =	vst v63  }
0x4b: {  	_ =	swait.ge [sflag:s1], $0x4000  }
0x4c: {  	[sflag:s1] =	ssyncset.done $0x0  }
0x4d: {  	[sflag:s1] =	ssyncadd.s32 $0xFFFFC000  }
0x4e: {  	_ =	swait.ge [sflag:s1], $0x4000  }
0x4f: {  	[sflag:s1] =	ssyncset.done $0x0  }
0x50: {  	[sflag:s1] =	ssyncadd.s32 $0xFFFFC000  }
0x51: {  	[hbm4b:s9+s2] =	stream.linear.scatter [tilespmem:s24], [sflag:$0x6], $0x8000, $0x38;
	[tilespmem:$0x19900] =	vst v63  }
0x52: {  	_ =	swait.ge [sflag:s0], $0x8000  }
0x53: {  	[sflag:s0] =	ssyncset.done $0x0  }
0x54: {  	[sflag:s0] =	ssyncadd.s32 $0xFFFF8000  }
0x55: {  	[tilespmem:s19], [sflag:$0x2] =	stream.indirect.gather [hbm4b:s3+s13], $0x80, s14, s13, $0xb8;
	[tilespmem:$0x19900] =	vst v63  }
0x56: {  	s25 =	simm.s32 $0x480;
	s10 =	smov.u32 s18  }
0x57: {  	[tilespmem:s21], [sflag:$0x2] =	stream.indirect.gather [hbm4b:s3+s13], $0x80, s25, s13, $0xb8;
	[tilespmem:$0x19900] =	vst v63  }
0x58: {  	s11 =	smov.u32 s31;
	s12 =	smov.u32 s30;
	s25 =	simm.s32 $0x0  }
.LBB2_2:
0x59: {  	_ =	swait.ge [sflag:s22], $0x4000  }
0x5a: {  	[sflag:s22] =	ssyncset.done $0x0  }
0x5b: {  	[sflag:s22] =	ssyncadd.s32 $0xFFFFC000  }
0x5c: {  	_ =	swait.ge [sflag:s22], $0x4000  }
0x5d: {  	[sflag:s22] =	ssyncset.done $0x0  }
0x5e: {  	[sflag:s22] =	ssyncadd.s32 $0xFFFFC000  }
0x5f: {  	[hbm4b:s10+s2] =	stream.linear.scatter [tilespmem:s16], [sflag:$0x4], $0x8000, $0x38;
	[tilespmem:$0x19900] =	vst v63  }
0x60: {  	_ =	swait.ge [sflag:s20], $0x8000  }
0x61: {  	s4 =	sshra.s32 s25, $0x2;
	[sflag:s20] =	ssyncset.done $0x0  }
0x62: {  	s5 =	sadd.s32 $0x500, s4;
	[sflag:s20] =	ssyncadd.s32 $0xFFFF8000  }
0x63: {  	[tilespmem:s24], [sflag:$0x3] =	stream.indirect.gather [hbm4b:s3+s13], $0x80, s5, s13, $0xb8;
	[tilespmem:$0x19900] =	vst v63  }
0x64: {  	s5 =	sadd.s32 $0x580, s4  }
0x65: {  	[tilespmem:s26], [sflag:$0x3] =	stream.indirect.gather [hbm4b:s3+s13], $0x80, s5, s13, $0xb8;
	[tilespmem:$0x19900] =	vst v63  }
0x66: {  	_ =	swait.ge [sflag:s28], $0x4000  }
0x67: {  	[sflag:s28] =	ssyncset.done $0x0  }
0x68: {  	[sflag:s28] =	ssyncadd.s32 $0xFFFFC000  }
0x69: {  	_ =	swait.ge [sflag:s28], $0x4000  }
0x6a: {  	[sflag:s28] =	ssyncset.done $0x0  }
0x6b: {  	[sflag:s28] =	ssyncadd.s32 $0xFFFFC000  }
0x6c: {  	[hbm4b:s12+s2] =	stream.linear.scatter [tilespmem:s19], [sflag:$0x5], $0x8000, $0x38;
	[tilespmem:$0x19900] =	vst v63  }
0x6d: {  	_ =	swait.ge [sflag:s29], $0x8000  }
0x6e: {  	[sflag:s29] =	ssyncset.done $0x0  }
0x6f: {  	s5 =	sadd.s32 $0x600, s4;
	[sflag:s29] =	ssyncadd.s32 $0xFFFF8000  }
0x70: {  	[tilespmem:s16], [sflag:$0x1] =	stream.indirect.gather [hbm4b:s3+s13], $0x80, s5, s13, $0xb8;
	[tilespmem:$0x19900] =	vst v63  }
0x71: {  	s5 =	sadd.s32 $0x680, s4  }
0x72: {  	[tilespmem:s17], [sflag:$0x1] =	stream.indirect.gather [hbm4b:s3+s13], $0x80, s5, s13, $0xb8;
	[tilespmem:$0x19900] =	vst v63  }
0x73: {  	_ =	swait.ge [sflag:s1], $0x4000  }
0x74: {  	p0 =	seq.s32 s25, $0x4800;
	[sflag:s1] =	ssyncset.done $0x0  }
.Ltmp2:
0x75: {  	[sflag:s1] =	ssyncadd.s32 $0xFFFFC000;
	(pc) =	sbr.rel @p0 .LBB2_4-.Ltmp2, $4  }
0x76: {  	_ =	swait.ge [sflag:s1], $0x4000  }
0x77: {  	[sflag:s1] =	ssyncset.done $0x0  }
0x78: {  	[sflag:s1] =	ssyncadd.s32 $0xFFFFC000  }
0x79: {  	[hbm4b:s11+s2] =	stream.linear.scatter [tilespmem:s24], [sflag:$0x6], $0x8000, $0x38;
	[tilespmem:$0x19900] =	vst v63  }
0x7a: {  	_ =	swait.ge [sflag:s0], $0x8000  }
.Ltmp3:
0x7b: {  	s5 =	sadd.s32 $0x700, s4;
	[sflag:s0] =	ssyncset.done $0x0;
	(pc) =	sbr.rel .LBB2_2-.Ltmp3, $4  }
0x7c: {  	s10 =	sadd.s32 $0x3000, s10;
	s11 =	sadd.s32 $0x3000, s11;
	[sflag:s0] =	ssyncadd.s32 $0xFFFF8000  }
0x7d: {  	[tilespmem:s19], [sflag:$0x2] =	stream.indirect.gather [hbm4b:s3+s13], $0x80, s5, s13, $0xb8;
	[tilespmem:$0x19900] =	vst v63  }
0x7e: {  	s12 =	sadd.s32 $0x3000, s12;
	s25 =	sadd.s32 $0xC00, s25;
	s5 =	sadd.s32 $0x780, s4  }
0x7f: {  	[tilespmem:s21], [sflag:$0x2] =	stream.indirect.gather [hbm4b:s3+s13], $0x80, s5, s13, $0xb8;
	[tilespmem:$0x19900] =	vst v63  }
.LBB2_5:
0x80: {  	_ =	sfence.sel $0x180000  }
0x81: {  	[bflag:$0x0] =	sbarrier.arrive $0xFFFF  }
0x82: {  	_ =	strace $0x90000047  }
0x83: {  	s0 =	stileid.u32;
	[bflag:$0x2] =	sbarrier.arrive $0xFFFF  }
0x84: {  	p0 =	sne.s32 s0, $0x0;
	s0 =	rddreg [dreg:$0x2]  }
0x85: {  	s0 =	sadd.s32 @!p0 $0x100000, s0  }
0x86: {  	[sflag:s0] =	ssyncadd.tile.s32 @!p0 $0x1;
	_ =	shalt  }
.Lfunc_end2:
_tile_overlayer_lowered:
.L_overlay_start_2:
0x87: {  	(tag) =	ssettag $0x2  }
0x88: {  	s0 =	rddreg [dreg:$0x0];
	s2 =	stileid.u32  }
0x89: {  	s1 =	rddreg [dreg:$0x1];
	p0 =	sne.s32 s2, $0x0  }
0x8a: {  	s3 =	rddreg [dreg:$0x2];
	[bflag:$0x3] =	sbarrier.arrive $0xFFFF;
	s2 =	simm.s32 @!p0 $0x1C07  }
0x8b: {  	[timem:s3], [sflag:s2] =	dma.local @!p0 [hbm:s0], s1  }
0x8c: {  	s0 =	simm.s32 @!p0 $0x7  }
0x8d: {  	_ =	swait.ge @!p0 [sflag:s0], s1  }
0x8e: {  	s1 =	ssub.s32 @!p0 $0x0, s1;
	[sflag:s0] =	ssyncset.done @!p0 $0x0  }
0x8f: {  	[sflag:s0] =	ssyncadd.s32 @!p0 s1  }
0x90: {  	[bflag:$0x3] =	sbarrier.arrive $0xFFFF  }
0x91: {  	_ =	shalt  }

</sc_bundles>
